<compile_context>
chip_gen: v7x
topology: tpu7x:2x2x1
jax: 0.10.2.dev20260603
libtpu: 0.0.44.dev20260713+nightly
codegen_flags: <defaults>
</compile_context>

<pallas_src>
import functools

import jax
import jax.numpy as jnp
from jax import lax
from jax.experimental import pallas as pl
from jax.experimental.pallas import tpu as pltpu
from jax.experimental.pallas import tpu_sc as plsc

N_BLK = 400
NC = 2
NS = 16
K_E = 128
ACC_ROWS = 50048
TRASH_ROW = 50040


def _mm1_body(xs_ref, w1_ref, b1_ref, ha_ref, hb_ref):
    h = jnp.tanh(
        jnp.dot(xs_ref[...], w1_ref[...], preferred_element_type=jnp.float32)
        + b1_ref[...]
    )
    ha_ref[...] = h[:, :32]
    hb_ref[...] = h[:, 32:]


def _mm2_body(ha_ref, hb_ref, sa_ref, sb_ref, cnt_ref, w2_ref, b2_ref, h2_ref):
    h = jnp.concatenate([ha_ref[...], hb_ref[...]], axis=1)
    s = jnp.concatenate([sa_ref[...], sb_ref[...]], axis=1)
    agg = s / jnp.maximum(cnt_ref[...][:, 0:1], 1.0)
    h2_ref[...] = jnp.tanh(
        jnp.dot(h + agg, w2_ref[...], preferred_element_type=jnp.float32)
        + b2_ref[...]
    )


def _mm3_body(m_ref, wc1_ref, bc1_ref, wc2_ref, bc2_ref, out_ref):
    z = jax.nn.relu(
        jnp.dot(m_ref[...], wc1_ref[...], preferred_element_type=jnp.float32)
        + bc1_ref[...]
    )
    out_ref[...] = (
        jnp.dot(z, wc2_ref[...], preferred_element_type=jnp.float32) + bc2_ref[...]
    )


Z_ROWS = 136


def _zero_init(zt, acc, s):
    rows_per_sub = ACC_ROWS // NS

    def z(j, carry):
        pltpu.sync_copy(zt, acc.at[pl.ds(s * rows_per_sub + j * Z_ROWS, Z_ROWS)])
        return carry

    lax.fori_loop(0, rows_per_sub // Z_ROWS, z, 0)


def _seg_sum_body(ha, hb, src_h, dst_h, zt,
                  sa, sb,
                  srcv, dstv, rows, acc, sem):
    c = lax.axis_index("c")
    s = lax.axis_index("s")
    is0 = c == 0
    n_e = src_h.shape[0]
    per_sub = n_e // (NS * K_E)

    sl = pl.ds(s * (ACC_ROWS // NS), ACC_ROWS // NS)
    _zero_init(zt, acc, s)
    plsc.subcore_barrier()

    def chunk(k, carry):
        base = (s + NS * k) * K_E
        pltpu.sync_copy(src_h.at[pl.ds(base, K_E)], srcv)
        pltpu.sync_copy(dst_h.at[pl.ds(base, K_E)], dstv)

        @pl.when(is0)
        def _():
            pltpu.async_copy(ha.at[srcv], rows, sem).wait()

        @pl.when(jnp.logical_not(is0))
        def _():
            pltpu.async_copy(hb.at[srcv], rows, sem).wait()

        pltpu.sync_copy(rows, acc.at[dstv], add=True)
        return carry

    lax.fori_loop(0, per_sub, chunk, 0)
    plsc.subcore_barrier()

    @pl.when(is0)
    def _():
        pltpu.sync_copy(acc.at[sl], sa.at[sl])

    @pl.when(jnp.logical_not(is0))
    def _():
        pltpu.sync_copy(acc.at[sl], sb.at[sl])


def _count_body(dst_h, ztc, ones_h, cnt, dstv, onesv, cntsh):
    c = lax.axis_index("c")
    s = lax.axis_index("s")
    is0 = c == 0
    n_e = dst_h.shape[0]
    rows_per_sub = ACC_ROWS // NS

    pltpu.sync_copy(ones_h, onesv)

    @pl.when(is0)
    def _():
        def z(j, carry):
            pltpu.sync_copy(
                ztc, cntsh.at[pl.ds(s * rows_per_sub + j * Z_ROWS, Z_ROWS)]
            )
            return carry

        lax.fori_loop(0, rows_per_sub // Z_ROWS, z, 0)

    plsc.subcore_barrier()

    @pl.when(is0)
    def _():
        def chunk(k, carry):
            base = (s + NS * k) * K_E
            pltpu.sync_copy(dst_h.at[pl.ds(base, K_E)], dstv)
            pltpu.sync_copy(onesv, cntsh.at[dstv], add=True)
            return carry

        lax.fori_loop(0, n_e // (NS * K_E), chunk, 0)

    plsc.subcore_barrier()

    @pl.when(is0)
    def _():
        sl = pl.ds(s * rows_per_sub, rows_per_sub)
        pltpu.sync_copy(cntsh.at[sl], cnt.at[sl])


def _row_spec(d):
    return pl.BlockSpec((N_BLK, d), lambda i: (i, 0))


def _full_spec(a, b):
    return pl.BlockSpec((a, b), lambda i: (0, 0))


def kernel(x, x_struct, x_e, edge_index, W1, b1, W2, b2, Wc1, bc1, Wc2, bc2):
    n = x_struct.shape[0]
    hid = W1.shape[1]
    out_d = Wc2.shape[1]
    grid = (n // N_BLK,)

    ha, hb = pl.pallas_call(
        _mm1_body,
        grid=grid,
        in_specs=[
            _row_spec(x_struct.shape[1]),
            _full_spec(x_struct.shape[1], hid),
            pl.BlockSpec((1, hid), lambda i: (0, 0)),
        ],
        out_specs=[_row_spec(32), _row_spec(32)],
        out_shape=[
            jax.ShapeDtypeStruct((n, 32), jnp.float32),
            jax.ShapeDtypeStruct((n, 32), jnp.float32),
        ],
    )(x_struct, W1, b1.reshape(1, hid))

    mesh = plsc.VectorSubcoreMesh(
        core_axis_name="c", subcore_axis_name="s", num_cores=NC, num_subcores=NS
    )
    seg_sum = pl.kernel(
        _seg_sum_body,
        out_type=[
            jax.ShapeDtypeStruct((ACC_ROWS, 32), jnp.float32),
            jax.ShapeDtypeStruct((ACC_ROWS, 32), jnp.float32),
        ],
        mesh=mesh,
        scratch_types=[
            pltpu.VMEM((K_E,), jnp.int32),
            pltpu.VMEM((K_E,), jnp.int32),
            pltpu.VMEM((K_E, 32), jnp.float32),
            pltpu.VMEM_SHARED((ACC_ROWS, 32), jnp.float32),
            pltpu.SemaphoreType.DMA,
        ],
        compiler_params=pltpu.CompilerParams(use_tc_tiling_on_sc=False),
    )
    seg_cnt = pl.kernel(
        _count_body,
        out_type=jax.ShapeDtypeStruct((ACC_ROWS, 8), jnp.float32),
        mesh=mesh,
        scratch_types=[
            pltpu.VMEM((K_E,), jnp.int32),
            pltpu.VMEM((K_E, 8), jnp.float32),
            pltpu.VMEM_SHARED((ACC_ROWS, 8), jnp.float32),
        ],
        compiler_params=pltpu.CompilerParams(use_tc_tiling_on_sc=False),
    )
    zeros_t = jnp.zeros((Z_ROWS, 32), jnp.float32)
    zeros_tc = jnp.zeros((Z_ROWS, 8), jnp.float32)
    ones_h = jnp.ones((K_E, 8), jnp.float32)
    src = edge_index[0]
    dst = edge_index[1]
    e = src.shape[0]
    blk = K_E * NS
    e_pad = ((e + blk - 1) // blk) * blk
    src1 = jnp.concatenate([src, jnp.zeros((e_pad - e,), jnp.int32)])
    dst1 = jnp.concatenate([dst, jnp.full((e_pad - e,), TRASH_ROW, jnp.int32)])
    sa, sb = seg_sum(ha, hb, src1, dst1, zeros_t)
    cnt = seg_cnt(dst1, zeros_tc, ones_h)

    h2 = pl.pallas_call(
        _mm2_body,
        grid=grid,
        in_specs=[
            _row_spec(32),
            _row_spec(32),
            _row_spec(32),
            _row_spec(32),
            pl.BlockSpec((N_BLK, 8), lambda i: (i, 0)),
            _full_spec(hid, hid),
            pl.BlockSpec((1, hid), lambda i: (0, 0)),
        ],
        out_specs=_row_spec(hid),
        out_shape=jax.ShapeDtypeStruct((n, hid), jnp.float32),
    )(ha, hb, sa, sb, cnt, W2, b2.reshape(1, hid))

    mn = jax.ops.segment_min(h2[src], dst, num_segments=n)
    m = jnp.where(cnt[:n, 0:1] > 0, mn, 0.0)

    return pl.pallas_call(
        _mm3_body,
        grid=grid,
        in_specs=[
            _row_spec(hid),
            _full_spec(hid, hid),
            pl.BlockSpec((1, hid), lambda i: (0, 0)),
            _full_spec(hid, out_d),
            pl.BlockSpec((1, out_d), lambda i: (0, 0)),
        ],
        out_specs=_row_spec(out_d),
        out_shape=jax.ShapeDtypeStruct((n, out_d), jnp.float32),
    )(m, Wc1, bc1.reshape(1, hid), Wc2, bc2.reshape(1, out_d))

# --- scband reference (transcript-rebuilt; emitter-appended) ---
"""Pipeline reference for scband-structure-model-5901285065125 (READ-ONLY COPY).

The authoritative reference and input builder live on the scoring server;
editing this copy changes nothing except your own understanding.
"""

import jax, jax.numpy as jnp
import numpy as np

N = 50000
E = 800000
D_IN = 128
D_STRUCT = 768
HID = 64
OUT = 16
D_EDGE = 16


def setup_inputs(seed: int = 0) -> dict:
    key = jax.random.key(seed)
    ks = jax.random.split(key, 12)
    x = jax.random.normal(ks[0], (N, D_IN), dtype=jnp.float32)
    x_struct = jax.random.normal(ks[1], (N, D_STRUCT), dtype=jnp.float32)
    x_e = jax.random.normal(ks[2], (E, D_EDGE), dtype=jnp.float32)
    edge_index = jax.random.randint(ks[3], (2, E), 0, N, dtype=jnp.int32)
    W1 = jax.random.normal(ks[4], (D_STRUCT, HID), dtype=jnp.float32) / np.sqrt(D_STRUCT)
    b1 = jnp.zeros((HID,), jnp.float32)
    W2 = jax.random.normal(ks[5], (HID, HID), dtype=jnp.float32) / np.sqrt(HID)
    b2 = jnp.zeros((HID,), jnp.float32)
    Wc1 = jax.random.normal(ks[6], (HID, HID), dtype=jnp.float32) / np.sqrt(HID)
    bc1 = jnp.zeros((HID,), jnp.float32)
    Wc2 = jax.random.normal(ks[7], (HID, OUT), dtype=jnp.float32) / np.sqrt(HID)
    bc2 = jnp.zeros((OUT,), jnp.float32)
    return {"x": x, "x_struct": x_struct, "x_e": x_e, "edge_index": edge_index,
            "W1": W1, "b1": b1, "W2": W2, "b2": b2,
            "Wc1": Wc1, "bc1": bc1, "Wc2": Wc2, "bc2": bc2}


def _segment_min(data, seg, n):
    # min-aggregation implemented so forward matches PyG MinAggregation
    # (empty segments -> 0); masked-mean form keeps it differentiable.
    mn = jax.ops.segment_min(data, seg, num_segments=n)
    mn_sg = jax.lax.stop_gradient(mn)
    mask = (data == mn_sg[seg]).astype(data.dtype)
    num = jax.ops.segment_sum(data * mask, seg, num_segments=n)
    den = jax.ops.segment_sum(mask, seg, num_segments=n)
    return jnp.where(den > 0, num / jnp.maximum(den, 1.0), 0.0)


def reference(x, x_struct, x_e, edge_index, W1, b1, W2, b2, Wc1, bc1, Wc2, bc2):
    src = edge_index[0]
    dst = edge_index[1]
    n = x_struct.shape[0]
    # StructuralFeatureRefiner(768 -> hidden): dense projection + one
    # mean-aggregated message-passing refinement step (dropout = eval no-op)
    h = jnp.tanh(x_struct @ W1 + b1)
    msg = h[src]
    s = jax.ops.segment_sum(msg, dst, num_segments=n)
    cnt = jax.ops.segment_sum(jnp.ones((msg.shape[0], 1), h.dtype), dst, num_segments=n)
    agg = s / jnp.maximum(cnt, 1.0)
    h = jnp.tanh((h + agg) @ W2 + b2)
    # MinAggregation over edges: min_{e: dst(e)=i} h[src(e)]
    m = _segment_min(h[src], dst, n)
    # Classifier MLP (dropout = eval no-op)
    z = jax.nn.relu(m @ Wc1 + bc1)
    return z @ Wc2 + bc2

if __name__ == "__main__":
    import jax
    _d = setup_inputs()
    print(jax.jit(kernel)(*tuple(_d.values())))

</pallas_src>

<mosaic_0001>
#map = affine_map<(d0, d1) -> (0, 0)>
#map1 = affine_map<(d0, d1) -> (0)>
module attributes {stable_mosaic.version = 14 : i64} {
  func.func @_seg_sum_body(%arg0: i32, %arg1: i32, %arg2: memref<50000x32xf32, #tpu.memory_space<hbm>>, %arg3: memref<50000x32xf32, #tpu.memory_space<hbm>>, %arg4: memref<800768xi32, #tpu.memory_space<hbm>>, %arg5: memref<800768xi32, #tpu.memory_space<hbm>>, %arg6: memref<136x32xf32, #tpu.memory_space<hbm>>, %arg7: memref<50048x32xf32, #tpu.memory_space<hbm>>, %arg8: memref<50048x32xf32, #tpu.memory_space<hbm>>, %arg9: memref<128xi32, #tpu.memory_space<vmem>>, %arg10: memref<128xi32, #tpu.memory_space<vmem>>, %arg11: memref<128x32xf32, #tpu.memory_space<vmem>>, %arg12: memref<50048x32xf32, #tpu.memory_space<vmem_shared>>, %arg13: memref<!tpu.dma_semaphore, #tpu.memory_space<semaphore_mem>>) attributes {dimension_semantics = [#tpu.dimension_semantics<core_parallel>, #tpu.dimension_semantics<subcore_parallel>], iteration_bounds = array<i64: 2, 16>, scalar_prefetch = 0 : i64, scratch_operands = 5 : i64, tpu.core_type = #tpu.core_type<sc_vector_subcore>, window_params = [{transform_indices = #map}, {transform_indices = #map}, {transform_indices = #map1}, {transform_indices = #map1}, {transform_indices = #map}, {transform_indices = #map}, {transform_indices = #map}]} {
    %eq3A = arith.constant 0 : i32
    %eq3A_0 = arith.cmpi eq, %arg0, %eq3A : i32
    %mul3A = arith.constant 3128 : i32
    %mul3A_1 = arith.muli %arg1, %mul3A : i32
    %scan3A = arith.constant 0 : i32
    %scan3A_2 = arith.constant 0 : i32
    %scan3A_3 = arith.constant 23 : i32
    %scan3A_4 = arith.addi %scan3A_2, %scan3A_3 : i32
    %scan3A_5 = arith.constant 1 : i32
    scf.for %scan3A_19 = %scan3A_2 to %scan3A_4 step %scan3A_5  : i32 {
      %mul3A_20 = arith.constant 3128 : i32
      %mul3A_21 = arith.muli %arg1, %mul3A_20 : i32
      %mul3A_22 = arith.constant 136 : i32
      %mul3A_23 = arith.muli %scan3A_19, %mul3A_22 : i32
      %add3A = arith.addi %mul3A_21, %mul3A_23 : i32
      "tpu.region"() ({
        %run_scoped3A = tpu.sem_alloc : memref<!tpu.dma_semaphore, #tpu.memory_space<semaphore_mem>>
        %dma_start3A = arith.constant 0 : i32
        %dma_start3A_24 = tpu.memref_slice %arg12[%add3A, %dma_start3A] : memref<50048x32xf32, #tpu.memory_space<vmem_shared>> -> memref<136x32xf32, #tpu.memory_space<vmem_shared>>
        tpu.enqueue_dma source(%arg6 : memref<136x32xf32, #tpu.memory_space<hbm>>) target(%dma_start3A_24 : memref<136x32xf32, #tpu.memory_space<vmem_shared>>) target_semaphore(%run_scoped3A : memref<!tpu.dma_semaphore, #tpu.memory_space<semaphore_mem>>)
        %dma_wait3A = arith.constant 0 : i32
        %dma_wait3A_25 = tpu.memref_slice %arg12[%add3A, %dma_wait3A] : memref<50048x32xf32, #tpu.memory_space<vmem_shared>> -> memref<136x32xf32, #tpu.memory_space<vmem_shared>>
        tpu.wait_dma2 semaphore(%run_scoped3A : memref<!tpu.dma_semaphore, #tpu.memory_space<semaphore_mem>>) src(%arg6 : memref<136x32xf32, #tpu.memory_space<hbm>>) dst(%dma_wait3A_25 : memref<136x32xf32, #tpu.memory_space<vmem_shared>>)
        tpu.yield
      }) : () -> ()
    }
    %scan3A_6 = arith.constant 23 : i32
    %barrier3A = arith.constant 0 : index
    tpu.barrier barrier_id(%barrier3A)
    %scan3A_7 = arith.constant 0 : i32
    %scan3A_8 = arith.constant 0 : i32
    %scan3A_9 = arith.constant 391 : i32
    %scan3A_10 = arith.addi %scan3A_8, %scan3A_9 : i32
    %scan3A_11 = arith.constant 1 : i32
    scf.for %scan3A_19 = %scan3A_8 to %scan3A_10 step %scan3A_11  : i32 {
      %mul3A_20 = arith.constant 16 : i32
      %mul3A_21 = arith.muli %mul3A_20, %scan3A_19 : i32
      %add3A = arith.addi %arg1, %mul3A_21 : i32
      %mul3A_22 = arith.constant 128 : i32
      %mul3A_23 = arith.muli %add3A, %mul3A_22 : i32
      "tpu.region"() ({
        %run_scoped3A = tpu.sem_alloc : memref<!tpu.dma_semaphore, #tpu.memory_space<semaphore_mem>>
        %dma_start3A = tpu.memref_slice %arg4[%mul3A_23] : memref<800768xi32, #tpu.memory_space<hbm>> -> memref<128xi32, #tpu.memory_space<hbm>>
        %dma_start3A_32 = tpu.memref_slice %arg4[%mul3A_23] : memref<800768xi32, #tpu.memory_space<hbm>> -> memref<128xi32, #tpu.memory_space<hbm>>
        tpu.enqueue_dma source(%dma_start3A_32 : memref<128xi32, #tpu.memory_space<hbm>>) target(%arg9 : memref<128xi32, #tpu.memory_space<vmem>>) target_semaphore(%run_scoped3A : memref<!tpu.dma_semaphore, #tpu.memory_space<semaphore_mem>>)
        %dma_wait3A = tpu.memref_slice %arg4[%mul3A_23] : memref<800768xi32, #tpu.memory_space<hbm>> -> memref<128xi32, #tpu.memory_space<hbm>>
        %dma_wait3A_33 = tpu.memref_slice %arg4[%mul3A_23] : memref<800768xi32, #tpu.memory_space<hbm>> -> memref<128xi32, #tpu.memory_space<hbm>>
        tpu.wait_dma2 semaphore(%run_scoped3A : memref<!tpu.dma_semaphore, #tpu.memory_space<semaphore_mem>>) src(%dma_wait3A_33 : memref<128xi32, #tpu.memory_space<hbm>>) dst(%arg9 : memref<128xi32, #tpu.memory_space<vmem>>)
        tpu.yield
      }) : () -> ()
      "tpu.region"() ({
        %run_scoped3A = tpu.sem_alloc : memref<!tpu.dma_semaphore, #tpu.memory_space<semaphore_mem>>
        %dma_start3A = tpu.memref_slice %arg5[%mul3A_23] : memref<800768xi32, #tpu.memory_space<hbm>> -> memref<128xi32, #tpu.memory_space<hbm>>
        %dma_start3A_32 = tpu.memref_slice %arg5[%mul3A_23] : memref<800768xi32, #tpu.memory_space<hbm>> -> memref<128xi32, #tpu.memory_space<hbm>>
        tpu.enqueue_dma source(%dma_start3A_32 : memref<128xi32, #tpu.memory_space<hbm>>) target(%arg10 : memref<128xi32, #tpu.memory_space<vmem>>) target_semaphore(%run_scoped3A : memref<!tpu.dma_semaphore, #tpu.memory_space<semaphore_mem>>)
        %dma_wait3A = tpu.memref_slice %arg5[%mul3A_23] : memref<800768xi32, #tpu.memory_space<hbm>> -> memref<128xi32, #tpu.memory_space<hbm>>
        %dma_wait3A_33 = tpu.memref_slice %arg5[%mul3A_23] : memref<800768xi32, #tpu.memory_space<hbm>> -> memref<128xi32, #tpu.memory_space<hbm>>
        tpu.wait_dma2 semaphore(%run_scoped3A : memref<!tpu.dma_semaphore, #tpu.memory_space<semaphore_mem>>) src(%dma_wait3A_33 : memref<128xi32, #tpu.memory_space<hbm>>) dst(%arg10 : memref<128xi32, #tpu.memory_space<vmem>>)
        tpu.yield
      }) : () -> ()
      %convert_element_type3A_24 = arith.extui %eq3A_0 : i1 to i32
      %cond3A_25 = arith.constant 0 : i32
      %cond3A_26 = arith.cmpi ne, %convert_element_type3A_24, %cond3A_25 : i32
      scf.if %cond3A_26 {
        %dma_start3A = arith.constant 0 : i32
        %dma_start3A_32 = arith.constant 0 : i32
        %dma_start3A_33 = tpu.memref_slice %arg2[%dma_start3A, %dma_start3A_32] : memref<50000x32xf32, #tpu.memory_space<hbm>> -> memref<50000x32xf32, #tpu.memory_space<hbm>>
        tpu.enqueue_indirect_dma source(%dma_start3A_33 : memref<50000x32xf32, #tpu.memory_space<hbm>>) target(%arg11 : memref<128x32xf32, #tpu.memory_space<vmem>>) offsets(%arg9 : memref<128xi32, #tpu.memory_space<vmem>>) semaphore(%arg13 : memref<!tpu.dma_semaphore, #tpu.memory_space<semaphore_mem>>)
        %dma_wait3A = arith.constant 0 : i32
        %dma_wait3A_34 = arith.constant 0 : i32
        %dma_wait3A_35 = tpu.memref_slice %arg2[%dma_wait3A, %dma_wait3A_34] : memref<50000x32xf32, #tpu.memory_space<hbm>> -> memref<50000x32xf32, #tpu.memory_space<hbm>>
        tpu.wait_indirect_dma semaphore(%arg13 : memref<!tpu.dma_semaphore, #tpu.memory_space<semaphore_mem>>) src(%dma_wait3A_35 : memref<50000x32xf32, #tpu.memory_space<hbm>>) dst(%arg11 : memref<128x32xf32, #tpu.memory_space<vmem>>)
      } else {
      }
      %not3A_27 = arith.constant true
      %not3A_28 = arith.xori %eq3A_0, %not3A_27 : i1
      %convert_element_type3A_29 = arith.extui %not3A_28 : i1 to i32
      %cond3A_30 = arith.constant 0 : i32
      %cond3A_31 = arith.cmpi ne, %convert_element_type3A_29, %cond3A_30 : i32
      scf.if %cond3A_31 {
        %dma_start3A = arith.constant 0 : i32
        %dma_start3A_32 = arith.constant 0 : i32
        %dma_start3A_33 = tpu.memref_slice %arg3[%dma_start3A, %dma_start3A_32] : memref<50000x32xf32, #tpu.memory_space<hbm>> -> memref<50000x32xf32, #tpu.memory_space<hbm>>
        tpu.enqueue_indirect_dma source(%dma_start3A_33 : memref<50000x32xf32, #tpu.memory_space<hbm>>) target(%arg11 : memref<128x32xf32, #tpu.memory_space<vmem>>) offsets(%arg9 : memref<128xi32, #tpu.memory_space<vmem>>) semaphore(%arg13 : memref<!tpu.dma_semaphore, #tpu.memory_space<semaphore_mem>>)
        %dma_wait3A = arith.constant 0 : i32
        %dma_wait3A_34 = arith.constant 0 : i32
        %dma_wait3A_35 = tpu.memref_slice %arg3[%dma_wait3A, %dma_wait3A_34] : memref<50000x32xf32, #tpu.memory_space<hbm>> -> memref<50000x32xf32, #tpu.memory_space<hbm>>
        tpu.wait_indirect_dma semaphore(%arg13 : memref<!tpu.dma_semaphore, #tpu.memory_space<semaphore_mem>>) src(%dma_wait3A_35 : memref<50000x32xf32, #tpu.memory_space<hbm>>) dst(%arg11 : memref<128x32xf32, #tpu.memory_space<vmem>>)
      } else {
      }
      "tpu.region"() ({
        %run_scoped3A = tpu.sem_alloc : memref<!tpu.dma_semaphore, #tpu.memory_space<semaphore_mem>>
        %dma_start3A = arith.constant 0 : i32
        %dma_start3A_32 = arith.constant 0 : i32
        %dma_start3A_33 = tpu.memref_slice %arg12[%dma_start3A, %dma_start3A_32] : memref<50048x32xf32, #tpu.memory_space<vmem_shared>> -> memref<50048x32xf32, #tpu.memory_space<vmem_shared>>
        tpu.enqueue_indirect_dma source(%arg11 : memref<128x32xf32, #tpu.memory_space<vmem>>) target(%dma_start3A_33 : memref<50048x32xf32, #tpu.memory_space<vmem_shared>>) offsets(%arg10 : memref<128xi32, #tpu.memory_space<vmem>>) semaphore(%run_scoped3A : memref<!tpu.dma_semaphore, #tpu.memory_space<semaphore_mem>>) {add = true}
        %dma_wait3A = arith.constant 0 : i32
        %dma_wait3A_34 = arith.constant 0 : i32
        %dma_wait3A_35 = tpu.memref_slice %arg12[%dma_wait3A, %dma_wait3A_34] : memref<50048x32xf32, #tpu.memory_space<vmem_shared>> -> memref<50048x32xf32, #tpu.memory_space<vmem_shared>>
        tpu.wait_indirect_dma semaphore(%run_scoped3A : memref<!tpu.dma_semaphore, #tpu.memory_space<semaphore_mem>>) src(%arg11 : memref<128x32xf32, #tpu.memory_space<vmem>>) dst(%dma_wait3A_35 : memref<50048x32xf32, #tpu.memory_space<vmem_shared>>)
        tpu.yield
      }) : () -> ()
    }
    %scan3A_12 = arith.constant 391 : i32
    %barrier3A_13 = arith.constant 0 : index
    tpu.barrier barrier_id(%barrier3A_13)
    %convert_element_type3A = arith.extui %eq3A_0 : i1 to i32
    %cond3A = arith.constant 0 : i32
    %cond3A_14 = arith.cmpi ne, %convert_element_type3A, %cond3A : i32
    scf.if %cond3A_14 {
      "tpu.region"() ({
        %run_scoped3A = tpu.sem_alloc : memref<!tpu.dma_semaphore, #tpu.memory_space<semaphore_mem>>
        %dma_start3A = arith.constant 0 : i32
        %dma_start3A_19 = tpu.memref_slice %arg7[%mul3A_1, %dma_start3A] : memref<50048x32xf32, #tpu.memory_space<hbm>> -> memref<3128x32xf32, #tpu.memory_space<hbm>>
        %dma_start3A_20 = arith.constant 0 : i32
        %dma_start3A_21 = tpu.memref_slice %arg12[%mul3A_1, %dma_start3A_20] : memref<50048x32xf32, #tpu.memory_space<vmem_shared>> -> memref<3128x32xf32, #tpu.memory_space<vmem_shared>>
        tpu.enqueue_dma source(%dma_start3A_21 : memref<3128x32xf32, #tpu.memory_space<vmem_shared>>) target(%dma_start3A_19 : memref<3128x32xf32, #tpu.memory_space<hbm>>) target_semaphore(%run_scoped3A : memref<!tpu.dma_semaphore, #tpu.memory_space<semaphore_mem>>)
        %dma_wait3A = arith.constant 0 : i32
        %dma_wait3A_22 = tpu.memref_slice %arg7[%mul3A_1, %dma_wait3A] : memref<50048x32xf32, #tpu.memory_space<hbm>> -> memref<3128x32xf32, #tpu.memory_space<hbm>>
        %dma_wait3A_23 = arith.constant 0 : i32
        %dma_wait3A_24 = tpu.memref_slice %arg12[%mul3A_1, %dma_wait3A_23] : memref<50048x32xf32, #tpu.memory_space<vmem_shared>> -> memref<3128x32xf32, #tpu.memory_space<vmem_shared>>
        tpu.wait_dma2 semaphore(%run_scoped3A : memref<!tpu.dma_semaphore, #tpu.memory_space<semaphore_mem>>) src(%dma_wait3A_24 : memref<3128x32xf32, #tpu.memory_space<vmem_shared>>) dst(%dma_wait3A_22 : memref<3128x32xf32, #tpu.memory_space<hbm>>)
        tpu.yield
      }) : () -> ()
    } else {
    }
    %not3A = arith.constant true
    %not3A_15 = arith.xori %eq3A_0, %not3A : i1
    %convert_element_type3A_16 = arith.extui %not3A_15 : i1 to i32
    %cond3A_17 = arith.constant 0 : i32
    %cond3A_18 = arith.cmpi ne, %convert_element_type3A_16, %cond3A_17 : i32
    scf.if %cond3A_18 {
      "tpu.region"() ({
        %run_scoped3A = tpu.sem_alloc : memref<!tpu.dma_semaphore, #tpu.memory_space<semaphore_mem>>
        %dma_start3A = arith.constant 0 : i32
        %dma_start3A_19 = tpu.memref_slice %arg8[%mul3A_1, %dma_start3A] : memref<50048x32xf32, #tpu.memory_space<hbm>> -> memref<3128x32xf32, #tpu.memory_space<hbm>>
        %dma_start3A_20 = arith.constant 0 : i32
        %dma_start3A_21 = tpu.memref_slice %arg12[%mul3A_1, %dma_start3A_20] : memref<50048x32xf32, #tpu.memory_space<vmem_shared>> -> memref<3128x32xf32, #tpu.memory_space<vmem_shared>>
        tpu.enqueue_dma source(%dma_start3A_21 : memref<3128x32xf32, #tpu.memory_space<vmem_shared>>) target(%dma_start3A_19 : memref<3128x32xf32, #tpu.memory_space<hbm>>) target_semaphore(%run_scoped3A : memref<!tpu.dma_semaphore, #tpu.memory_space<semaphore_mem>>)
        %dma_wait3A = arith.constant 0 : i32
        %dma_wait3A_22 = tpu.memref_slice %arg8[%mul3A_1, %dma_wait3A] : memref<50048x32xf32, #tpu.memory_space<hbm>> -> memref<3128x32xf32, #tpu.memory_space<hbm>>
        %dma_wait3A_23 = arith.constant 0 : i32
        %dma_wait3A_24 = tpu.memref_slice %arg12[%mul3A_1, %dma_wait3A_23] : memref<50048x32xf32, #tpu.memory_space<vmem_shared>> -> memref<3128x32xf32, #tpu.memory_space<vmem_shared>>
        tpu.wait_dma2 semaphore(%run_scoped3A : memref<!tpu.dma_semaphore, #tpu.memory_space<semaphore_mem>>) src(%dma_wait3A_24 : memref<3128x32xf32, #tpu.memory_space<vmem_shared>>) dst(%dma_wait3A_22 : memref<3128x32xf32, #tpu.memory_space<hbm>>)
        tpu.yield
      }) : () -> ()
    } else {
    }
    return
  }
}

#map = affine_map<(d0, d1) -> (0)>
#map1 = affine_map<(d0, d1) -> (0, 0)>
module attributes {stable_mosaic.version = 14 : i64} {
  func.func @_count_body(%arg0: i32, %arg1: i32, %arg2: memref<800768xi32, #tpu.memory_space<hbm>>, %arg3: memref<136x8xf32, #tpu.memory_space<hbm>>, %arg4: memref<128x8xf32, #tpu.memory_space<hbm>>, %arg5: memref<50048x8xf32, #tpu.memory_space<hbm>>, %arg6: memref<128xi32, #tpu.memory_space<vmem>>, %arg7: memref<128x8xf32, #tpu.memory_space<vmem>>, %arg8: memref<50048x8xf32, #tpu.memory_space<vmem_shared>>) attributes {dimension_semantics = [#tpu.dimension_semantics<core_parallel>, #tpu.dimension_semantics<subcore_parallel>], iteration_bounds = array<i64: 2, 16>, scalar_prefetch = 0 : i64, scratch_operands = 3 : i64, tpu.core_type = #tpu.core_type<sc_vector_subcore>, window_params = [{transform_indices = #map}, {transform_indices = #map1}, {transform_indices = #map1}, {transform_indices = #map1}]} {
    %eq3A = arith.constant 0 : i32
    %eq3A_0 = arith.cmpi eq, %arg0, %eq3A : i32
    "tpu.region"() ({
      %run_scoped3A = tpu.sem_alloc : memref<!tpu.dma_semaphore, #tpu.memory_space<semaphore_mem>>
      tpu.enqueue_dma source(%arg4 : memref<128x8xf32, #tpu.memory_space<hbm>>) target(%arg7 : memref<128x8xf32, #tpu.memory_space<vmem>>) target_semaphore(%run_scoped3A : memref<!tpu.dma_semaphore, #tpu.memory_space<semaphore_mem>>)
      tpu.wait_dma2 semaphore(%run_scoped3A : memref<!tpu.dma_semaphore, #tpu.memory_space<semaphore_mem>>) src(%arg4 : memref<128x8xf32, #tpu.memory_space<hbm>>) dst(%arg7 : memref<128x8xf32, #tpu.memory_space<vmem>>)
      tpu.yield
    }) : () -> ()
    %convert_element_type3A = arith.extui %eq3A_0 : i1 to i32
    %cond3A = arith.constant 0 : i32
    %cond3A_1 = arith.cmpi ne, %convert_element_type3A, %cond3A : i32
    scf.if %cond3A_1 {
      %scan3A = arith.constant 0 : i32
      %scan3A_9 = arith.constant 0 : i32
      %scan3A_10 = arith.constant 23 : i32
      %scan3A_11 = arith.addi %scan3A_9, %scan3A_10 : i32
      %scan3A_12 = arith.constant 1 : i32
      scf.for %scan3A_14 = %scan3A_9 to %scan3A_11 step %scan3A_12  : i32 {
        %mul3A = arith.constant 3128 : i32
        %mul3A_15 = arith.muli %arg1, %mul3A : i32
        %mul3A_16 = arith.constant 136 : i32
        %mul3A_17 = arith.muli %scan3A_14, %mul3A_16 : i32
        %add3A = arith.addi %mul3A_15, %mul3A_17 : i32
        "tpu.region"() ({
          %run_scoped3A = tpu.sem_alloc : memref<!tpu.dma_semaphore, #tpu.memory_space<semaphore_mem>>
          %dma_start3A = arith.constant 0 : i32
          %dma_start3A_18 = tpu.memref_slice %arg8[%add3A, %dma_start3A] : memref<50048x8xf32, #tpu.memory_space<vmem_shared>> -> memref<136x8xf32, #tpu.memory_space<vmem_shared>>
          tpu.enqueue_dma source(%arg3 : memref<136x8xf32, #tpu.memory_space<hbm>>) target(%dma_start3A_18 : memref<136x8xf32, #tpu.memory_space<vmem_shared>>) target_semaphore(%run_scoped3A : memref<!tpu.dma_semaphore, #tpu.memory_space<semaphore_mem>>)
          %dma_wait3A = arith.constant 0 : i32
          %dma_wait3A_19 = tpu.memref_slice %arg8[%add3A, %dma_wait3A] : memref<50048x8xf32, #tpu.memory_space<vmem_shared>> -> memref<136x8xf32, #tpu.memory_space<vmem_shared>>
          tpu.wait_dma2 semaphore(%run_scoped3A : memref<!tpu.dma_semaphore, #tpu.memory_space<semaphore_mem>>) src(%arg3 : memref<136x8xf32, #tpu.memory_space<hbm>>) dst(%dma_wait3A_19 : memref<136x8xf32, #tpu.memory_space<vmem_shared>>)
          tpu.yield
        }) : () -> ()
      }
      %scan3A_13 = arith.constant 23 : i32
    } else {
    }
    %barrier3A = arith.constant 0 : index
    tpu.barrier barrier_id(%barrier3A)
    %convert_element_type3A_2 = arith.extui %eq3A_0 : i1 to i32
    %cond3A_3 = arith.constant 0 : i32
    %cond3A_4 = arith.cmpi ne, %convert_element_type3A_2, %cond3A_3 : i32
    scf.if %cond3A_4 {
      %scan3A = arith.constant 0 : i32
      %scan3A_9 = arith.constant 0 : i32
      %scan3A_10 = arith.constant 391 : i32
      %scan3A_11 = arith.addi %scan3A_9, %scan3A_10 : i32
      %scan3A_12 = arith.constant 1 : i32
      scf.for %scan3A_14 = %scan3A_9 to %scan3A_11 step %scan3A_12  : i32 {
        %mul3A = arith.constant 16 : i32
        %mul3A_15 = arith.muli %mul3A, %scan3A_14 : i32
        %add3A = arith.addi %arg1, %mul3A_15 : i32
        %mul3A_16 = arith.constant 128 : i32
        %mul3A_17 = arith.muli %add3A, %mul3A_16 : i32
        "tpu.region"() ({
          %run_scoped3A = tpu.sem_alloc : memref<!tpu.dma_semaphore, #tpu.memory_space<semaphore_mem>>
          %dma_start3A = tpu.memref_slice %arg2[%mul3A_17] : memref<800768xi32, #tpu.memory_space<hbm>> -> memref<128xi32, #tpu.memory_space<hbm>>
          %dma_start3A_18 = tpu.memref_slice %arg2[%mul3A_17] : memref<800768xi32, #tpu.memory_space<hbm>> -> memref<128xi32, #tpu.memory_space<hbm>>
          tpu.enqueue_dma source(%dma_start3A_18 : memref<128xi32, #tpu.memory_space<hbm>>) target(%arg6 : memref<128xi32, #tpu.memory_space<vmem>>) target_semaphore(%run_scoped3A : memref<!tpu.dma_semaphore, #tpu.memory_space<semaphore_mem>>)
          %dma_wait3A = tpu.memref_slice %arg2[%mul3A_17] : memref<800768xi32, #tpu.memory_space<hbm>> -> memref<128xi32, #tpu.memory_space<hbm>>
          %dma_wait3A_19 = tpu.memref_slice %arg2[%mul3A_17] : memref<800768xi32, #tpu.memory_space<hbm>> -> memref<128xi32, #tpu.memory_space<hbm>>
          tpu.wait_dma2 semaphore(%run_scoped3A : memref<!tpu.dma_semaphore, #tpu.memory_space<semaphore_mem>>) src(%dma_wait3A_19 : memref<128xi32, #tpu.memory_space<hbm>>) dst(%arg6 : memref<128xi32, #tpu.memory_space<vmem>>)
          tpu.yield
        }) : () -> ()
        "tpu.region"() ({
          %run_scoped3A = tpu.sem_alloc : memref<!tpu.dma_semaphore, #tpu.memory_space<semaphore_mem>>
          %dma_start3A = arith.constant 0 : i32
          %dma_start3A_18 = arith.constant 0 : i32
          %dma_start3A_19 = tpu.memref_slice %arg8[%dma_start3A, %dma_start3A_18] : memref<50048x8xf32, #tpu.memory_space<vmem_shared>> -> memref<50048x8xf32, #tpu.memory_space<vmem_shared>>
          tpu.enqueue_indirect_dma source(%arg7 : memref<128x8xf32, #tpu.memory_space<vmem>>) target(%dma_start3A_19 : memref<50048x8xf32, #tpu.memory_space<vmem_shared>>) offsets(%arg6 : memref<128xi32, #tpu.memory_space<vmem>>) semaphore(%run_scoped3A : memref<!tpu.dma_semaphore, #tpu.memory_space<semaphore_mem>>) {add = true}
          %dma_wait3A = arith.constant 0 : i32
          %dma_wait3A_20 = arith.constant 0 : i32
          %dma_wait3A_21 = tpu.memref_slice %arg8[%dma_wait3A, %dma_wait3A_20] : memref<50048x8xf32, #tpu.memory_space<vmem_shared>> -> memref<50048x8xf32, #tpu.memory_space<vmem_shared>>
          tpu.wait_indirect_dma semaphore(%run_scoped3A : memref<!tpu.dma_semaphore, #tpu.memory_space<semaphore_mem>>) src(%arg7 : memref<128x8xf32, #tpu.memory_space<vmem>>) dst(%dma_wait3A_21 : memref<50048x8xf32, #tpu.memory_space<vmem_shared>>)
          tpu.yield
        }) : () -> ()
      }
      %scan3A_13 = arith.constant 391 : i32
    } else {
    }
    %barrier3A_5 = arith.constant 0 : index
    tpu.barrier barrier_id(%barrier3A_5)
    %convert_element_type3A_6 = arith.extui %eq3A_0 : i1 to i32
    %cond3A_7 = arith.constant 0 : i32
    %cond3A_8 = arith.cmpi ne, %convert_element_type3A_6, %cond3A_7 : i32
    scf.if %cond3A_8 {
      %mul3A = arith.constant 3128 : i32
      %mul3A_9 = arith.muli %arg1, %mul3A : i32
      "tpu.region"() ({
        %run_scoped3A = tpu.sem_alloc : memref<!tpu.dma_semaphore, #tpu.memory_space<semaphore_mem>>
        %dma_start3A = arith.constant 0 : i32
        %dma_start3A_10 = tpu.memref_slice %arg5[%mul3A_9, %dma_start3A] : memref<50048x8xf32, #tpu.memory_space<hbm>> -> memref<3128x8xf32, #tpu.memory_space<hbm>>
        %dma_start3A_11 = arith.constant 0 : i32
        %dma_start3A_12 = tpu.memref_slice %arg8[%mul3A_9, %dma_start3A_11] : memref<50048x8xf32, #tpu.memory_space<vmem_shared>> -> memref<3128x8xf32, #tpu.memory_space<vmem_shared>>
        tpu.enqueue_dma source(%dma_start3A_12 : memref<3128x8xf32, #tpu.memory_space<vmem_shared>>) target(%dma_start3A_10 : memref<3128x8xf32, #tpu.memory_space<hbm>>) target_semaphore(%run_scoped3A : memref<!tpu.dma_semaphore, #tpu.memory_space<semaphore_mem>>)
        %dma_wait3A = arith.constant 0 : i32
        %dma_wait3A_13 = tpu.memref_slice %arg5[%mul3A_9, %dma_wait3A] : memref<50048x8xf32, #tpu.memory_space<hbm>> -> memref<3128x8xf32, #tpu.memory_space<hbm>>
        %dma_wait3A_14 = arith.constant 0 : i32
        %dma_wait3A_15 = tpu.memref_slice %arg8[%mul3A_9, %dma_wait3A_14] : memref<50048x8xf32, #tpu.memory_space<vmem_shared>> -> memref<3128x8xf32, #tpu.memory_space<vmem_shared>>
        tpu.wait_dma2 semaphore(%run_scoped3A : memref<!tpu.dma_semaphore, #tpu.memory_space<semaphore_mem>>) src(%dma_wait3A_15 : memref<3128x8xf32, #tpu.memory_space<vmem_shared>>) dst(%dma_wait3A_13 : memref<3128x8xf32, #tpu.memory_space<hbm>>)
        tpu.yield
      }) : () -> ()
    } else {
    }
    return
  }
}

module attributes {stable_mosaic.version = 14 : i64} {
  func.func @_mm1_body(%arg0: i32, %arg1: memref<400x768xf32, #tpu.memory_space<vmem>>, %arg2: memref<768x64xf32, #tpu.memory_space<vmem>>, %arg3: memref<1x64xf32, #tpu.memory_space<vmem>>, %arg4: memref<400x32xf32, #tpu.memory_space<vmem>>, %arg5: memref<400x32xf32, #tpu.memory_space<vmem>>) attributes {dimension_semantics = [#tpu.dimension_semantics<arbitrary>], iteration_bounds = array<i64: 125>, scalar_prefetch = 0 : i64, scratch_operands = 0 : i64, tpu.core_type = #tpu.core_type<tc>, window_params = [{transform_indices = @transform_0, window_bounds = array<i64: 400, 768>}, {pipeline_mode = #tpu.pipeline_mode<synchronous>, transform_indices = @transform_1, window_bounds = array<i64: 768, 64>}, {pipeline_mode = #tpu.pipeline_mode<synchronous>, transform_indices = @transform_2, window_bounds = array<i64: 1, 64>}, {transform_indices = @transform_3, window_bounds = array<i64: 400, 32>}, {transform_indices = @transform_4, window_bounds = array<i64: 400, 32>}]} {
    %get3A = arith.constant 0 : index
    %get3A_0 = arith.constant 0 : index
    %get3A_1 = vector.load %arg1[%get3A, %get3A_0] : memref<400x768xf32, #tpu.memory_space<vmem>>, vector<400x768xf32>
    %get3A_2 = arith.constant 0 : index
    %get3A_3 = arith.constant 0 : index
    %get3A_4 = vector.load %arg2[%get3A_2, %get3A_3] : memref<768x64xf32, #tpu.memory_space<vmem>>, vector<768x64xf32>
    %dot_general3A = arith.constant dense<0.000000e+00> : vector<400x64xf32>
    %dot_general3A_5 = tpu.matmul %get3A_1, %get3A_4, %dot_general3A {dimension_numbers = #tpu.dot_dimension_numbers<[1], [0], [0], [1], [0, 0, 1, 1], [], []>, transpose_lhs_hint = false} : vector<400x768xf32>, vector<768x64xf32>, vector<400x64xf32> -> vector<400x64xf32>
    %get3A_6 = arith.constant 0 : index
    %get3A_7 = arith.constant 0 : index
    %get3A_8 = vector.load %arg3[%get3A_6, %get3A_7] : memref<1x64xf32, #tpu.memory_space<vmem>>, vector<1x64xf32>
    %add3A = vector.broadcast %get3A_8 : vector<1x64xf32> to vector<400x64xf32>
    %add3A_9 = arith.addf %dot_general3A_5, %add3A : vector<400x64xf32>
    %tanh3A = math.tanh %add3A_9 : vector<400x64xf32>
    %slice3A = vector.extract_strided_slice %tanh3A {offsets = [0, 0], sizes = [400, 32], strides = [1, 1]} : vector<400x64xf32> to vector<400x32xf32>
    %swap3A = arith.constant 0 : index
    %swap3A_10 = arith.constant 0 : index
    %swap3A_11 = vector.load %arg4[%swap3A, %swap3A_10] : memref<400x32xf32, #tpu.memory_space<vmem>>, vector<400x32xf32>
    tpu.vector_store %arg4[%swap3A, %swap3A_10], %slice3A {strides = array<i32>} : memref<400x32xf32, #tpu.memory_space<vmem>>, vector<400x32xf32>,
    %slice3A_12 = vector.extract_strided_slice %tanh3A {offsets = [0, 32], sizes = [400, 32], strides = [1, 1]} : vector<400x64xf32> to vector<400x32xf32>
    %swap3A_13 = arith.constant 0 : index
    %swap3A_14 = arith.constant 0 : index
    %swap3A_15 = vector.load %arg5[%swap3A_13, %swap3A_14] : memref<400x32xf32, #tpu.memory_space<vmem>>, vector<400x32xf32>
    tpu.vector_store %arg5[%swap3A_13, %swap3A_14], %slice3A_12 {strides = array<i32>} : memref<400x32xf32, #tpu.memory_space<vmem>>, vector<400x32xf32>,
    return
  }
  func.func @transform_0(%arg0: i32) -> (i32, i32) {
    %c0_i32 = arith.constant 0 : i32
    %c0_i32_0 = arith.constant 0 : i32
    return %arg0, %c0_i32 : i32, i32
  }
  func.func @transform_1(%arg0: i32) -> (i32, i32) {
    %c0_i32 = arith.constant 0 : i32
    %c0_i32_0 = arith.constant 0 : i32
    %c0_i32_1 = arith.constant 0 : i32
    return %c0_i32, %c0_i32_0 : i32, i32
  }
  func.func @transform_2(%arg0: i32) -> (i32, i32) {
    %c0_i32 = arith.constant 0 : i32
    %c0_i32_0 = arith.constant 0 : i32
    %c0_i32_1 = arith.constant 0 : i32
    return %c0_i32, %c0_i32_0 : i32, i32
  }
  func.func @transform_3(%arg0: i32) -> (i32, i32) {
    %c0_i32 = arith.constant 0 : i32
    %c0_i32_0 = arith.constant 0 : i32
    return %arg0, %c0_i32 : i32, i32
  }
  func.func @transform_4(%arg0: i32) -> (i32, i32) {
    %c0_i32 = arith.constant 0 : i32
    %c0_i32_0 = arith.constant 0 : i32
    return %arg0, %c0_i32 : i32, i32
  }
}

module attributes {stable_mosaic.version = 14 : i64} {
  func.func @_mm2_body(%arg0: i32, %arg1: memref<400x32xf32, #tpu.memory_space<vmem>>, %arg2: memref<400x32xf32, #tpu.memory_space<vmem>>, %arg3: memref<400x32xf32, #tpu.memory_space<vmem>>, %arg4: memref<400x32xf32, #tpu.memory_space<vmem>>, %arg5: memref<400x8xf32, #tpu.memory_space<vmem>>, %arg6: memref<64x64xf32, #tpu.memory_space<vmem>>, %arg7: memref<1x64xf32, #tpu.memory_space<vmem>>, %arg8: memref<400x64xf32, #tpu.memory_space<vmem>>) attributes {dimension_semantics = [#tpu.dimension_semantics<arbitrary>], iteration_bounds = array<i64: 125>, scalar_prefetch = 0 : i64, scratch_operands = 0 : i64, tpu.core_type = #tpu.core_type<tc>, window_params = [{transform_indices = @transform_0, window_bounds = array<i64: 400, 32>}, {transform_indices = @transform_1, window_bounds = array<i64: 400, 32>}, {transform_indices = @transform_2, window_bounds = array<i64: 400, 32>}, {transform_indices = @transform_3, window_bounds = array<i64: 400, 32>}, {transform_indices = @transform_4, window_bounds = array<i64: 400, 8>}, {pipeline_mode = #tpu.pipeline_mode<synchronous>, transform_indices = @transform_5, window_bounds = array<i64: 64, 64>}, {pipeline_mode = #tpu.pipeline_mode<synchronous>, transform_indices = @transform_6, window_bounds = array<i64: 1, 64>}, {transform_indices = @transform_7, window_bounds = array<i64: 400, 64>}]} {
    %get3A = arith.constant 0 : index
    %get3A_0 = arith.constant 0 : index
    %get3A_1 = vector.load %arg1[%get3A, %get3A_0] : memref<400x32xf32, #tpu.memory_space<vmem>>, vector<400x32xf32>
    %get3A_2 = arith.constant 0 : index
    %get3A_3 = arith.constant 0 : index
    %get3A_4 = vector.load %arg2[%get3A_2, %get3A_3] : memref<400x32xf32, #tpu.memory_space<vmem>>, vector<400x32xf32>
    %concatenate3A = tpu.concatenate %get3A_1, %get3A_4 in 1 : vector<400x32xf32>, vector<400x32xf32> -> vector<400x64xf32>
    %get3A_5 = arith.constant 0 : index
    %get3A_6 = arith.constant 0 : index
    %get3A_7 = vector.load %arg3[%get3A_5, %get3A_6] : memref<400x32xf32, #tpu.memory_space<vmem>>, vector<400x32xf32>
    %get3A_8 = arith.constant 0 : index
    %get3A_9 = arith.constant 0 : index
    %get3A_10 = vector.load %arg4[%get3A_8, %get3A_9] : memref<400x32xf32, #tpu.memory_space<vmem>>, vector<400x32xf32>
    %concatenate3A_11 = tpu.concatenate %get3A_7, %get3A_10 in 1 : vector<400x32xf32>, vector<400x32xf32> -> vector<400x64xf32>
    %get3A_12 = arith.constant 0 : index
    %get3A_13 = arith.constant 0 : index
    %get3A_14 = vector.load %arg5[%get3A_12, %get3A_13] : memref<400x8xf32, #tpu.memory_space<vmem>>, vector<400x8xf32>
    %slice3A = vector.extract_strided_slice %get3A_14 {offsets = [0, 0], sizes = [400, 1], strides = [1, 1]} : vector<400x8xf32> to vector<400x1xf32>
    %max3A = arith.constant 1.000000e+00 : f32
    %max3A_15 = vector.broadcast %max3A : f32 to vector<400x1xf32>
    %max3A_16 = arith.maximumf %slice3A, %max3A_15 : vector<400x1xf32>
    %div3A = vector.broadcast %max3A_16 : vector<400x1xf32> to vector<400x64xf32>
    %div3A_17 = arith.divf %concatenate3A_11, %div3A : vector<400x64xf32>
    %add3A = arith.addf %concatenate3A, %div3A_17 : vector<400x64xf32>
    %get3A_18 = arith.constant 0 : index
    %get3A_19 = arith.constant 0 : index
    %get3A_20 = vector.load %arg6[%get3A_18, %get3A_19] : memref<64x64xf32, #tpu.memory_space<vmem>>, vector<64x64xf32>
    %dot_general3A = arith.constant dense<0.000000e+00> : vector<400x64xf32>
    %dot_general3A_21 = tpu.matmul %add3A, %get3A_20, %dot_general3A {dimension_numbers = #tpu.dot_dimension_numbers<[1], [0], [0], [1], [0, 0, 1, 1], [], []>, transpose_lhs_hint = false} : vector<400x64xf32>, vector<64x64xf32>, vector<400x64xf32> -> vector<400x64xf32>
    %get3A_22 = arith.constant 0 : index
    %get3A_23 = arith.constant 0 : index
    %get3A_24 = vector.load %arg7[%get3A_22, %get3A_23] : memref<1x64xf32, #tpu.memory_space<vmem>>, vector<1x64xf32>
    %add3A_25 = vector.broadcast %get3A_24 : vector<1x64xf32> to vector<400x64xf32>
    %add3A_26 = arith.addf %dot_general3A_21, %add3A_25 : vector<400x64xf32>
    %tanh3A = math.tanh %add3A_26 : vector<400x64xf32>
    %swap3A = arith.constant 0 : index
    %swap3A_27 = arith.constant 0 : index
    %swap3A_28 = vector.load %arg8[%swap3A, %swap3A_27] : memref<400x64xf32, #tpu.memory_space<vmem>>, vector<400x64xf32>
    tpu.vector_store %arg8[%swap3A, %swap3A_27], %tanh3A {strides = array<i32>} : memref<400x64xf32, #tpu.memory_space<vmem>>, vector<400x64xf32>,
    return
  }
  func.func @transform_0(%arg0: i32) -> (i32, i32) {
    %c0_i32 = arith.constant 0 : i32
    %c0_i32_0 = arith.constant 0 : i32
    return %arg0, %c0_i32 : i32, i32
  }
  func.func @transform_1(%arg0: i32) -> (i32, i32) {
    %c0_i32 = arith.constant 0 : i32
    %c0_i32_0 = arith.constant 0 : i32
    return %arg0, %c0_i32 : i32, i32
  }
  func.func @transform_2(%arg0: i32) -> (i32, i32) {
    %c0_i32 = arith.constant 0 : i32
    %c0_i32_0 = arith.constant 0 : i32
    return %arg0, %c0_i32 : i32, i32
  }
  func.func @transform_3(%arg0: i32) -> (i32, i32) {
    %c0_i32 = arith.constant 0 : i32
    %c0_i32_0 = arith.constant 0 : i32
    return %arg0, %c0_i32 : i32, i32
  }
  func.func @transform_4(%arg0: i32) -> (i32, i32) {
    %c0_i32 = arith.constant 0 : i32
    %c0_i32_0 = arith.constant 0 : i32
    return %arg0, %c0_i32 : i32, i32
  }
  func.func @transform_5(%arg0: i32) -> (i32, i32) {
    %c0_i32 = arith.constant 0 : i32
    %c0_i32_0 = arith.constant 0 : i32
    %c0_i32_1 = arith.constant 0 : i32
    return %c0_i32, %c0_i32_0 : i32, i32
  }
  func.func @transform_6(%arg0: i32) -> (i32, i32) {
    %c0_i32 = arith.constant 0 : i32
    %c0_i32_0 = arith.constant 0 : i32
    %c0_i32_1 = arith.constant 0 : i32
    return %c0_i32, %c0_i32_0 : i32, i32
  }
  func.func @transform_7(%arg0: i32) -> (i32, i32) {
    %c0_i32 = arith.constant 0 : i32
    %c0_i32_0 = arith.constant 0 : i32
    return %arg0, %c0_i32 : i32, i32
  }
}

module attributes {stable_mosaic.version = 14 : i64} {
  func.func @_mm3_body(%arg0: i32, %arg1: memref<400x64xf32, #tpu.memory_space<vmem>>, %arg2: memref<64x64xf32, #tpu.memory_space<vmem>>, %arg3: memref<1x64xf32, #tpu.memory_space<vmem>>, %arg4: memref<64x16xf32, #tpu.memory_space<vmem>>, %arg5: memref<1x16xf32, #tpu.memory_space<vmem>>, %arg6: memref<400x16xf32, #tpu.memory_space<vmem>>) attributes {dimension_semantics = [#tpu.dimension_semantics<arbitrary>], iteration_bounds = array<i64: 125>, scalar_prefetch = 0 : i64, scratch_operands = 0 : i64, tpu.core_type = #tpu.core_type<tc>, window_params = [{transform_indices = @transform_0, window_bounds = array<i64: 400, 64>}, {pipeline_mode = #tpu.pipeline_mode<synchronous>, transform_indices = @transform_1, window_bounds = array<i64: 64, 64>}, {pipeline_mode = #tpu.pipeline_mode<synchronous>, transform_indices = @transform_2, window_bounds = array<i64: 1, 64>}, {pipeline_mode = #tpu.pipeline_mode<synchronous>, transform_indices = @transform_3, window_bounds = array<i64: 64, 16>}, {pipeline_mode = #tpu.pipeline_mode<synchronous>, transform_indices = @transform_4, window_bounds = array<i64: 1, 16>}, {transform_indices = @transform_5, window_bounds = array<i64: 400, 16>}]} {
    %get3A = arith.constant 0 : index
    %get3A_0 = arith.constant 0 : index
    %get3A_1 = vector.load %arg1[%get3A, %get3A_0] : memref<400x64xf32, #tpu.memory_space<vmem>>, vector<400x64xf32>
    %get3A_2 = arith.constant 0 : index
    %get3A_3 = arith.constant 0 : index
    %get3A_4 = vector.load %arg2[%get3A_2, %get3A_3] : memref<64x64xf32, #tpu.memory_space<vmem>>, vector<64x64xf32>
    %dot_general3A = arith.constant dense<0.000000e+00> : vector<400x64xf32>
    %dot_general3A_5 = tpu.matmul %get3A_1, %get3A_4, %dot_general3A {dimension_numbers = #tpu.dot_dimension_numbers<[1], [0], [0], [1], [0, 0, 1, 1], [], []>, transpose_lhs_hint = false} : vector<400x64xf32>, vector<64x64xf32>, vector<400x64xf32> -> vector<400x64xf32>
    %get3A_6 = arith.constant 0 : index
    %get3A_7 = arith.constant 0 : index
    %get3A_8 = vector.load %arg3[%get3A_6, %get3A_7] : memref<1x64xf32, #tpu.memory_space<vmem>>, vector<1x64xf32>
    %add3A = vector.broadcast %get3A_8 : vector<1x64xf32> to vector<400x64xf32>
    %add3A_9 = arith.addf %dot_general3A_5, %add3A : vector<400x64xf32>
    %max3A = arith.constant 0.000000e+00 : f32
    %max3A_10 = vector.broadcast %max3A : f32 to vector<400x64xf32>
    %max3A_11 = arith.maximumf %add3A_9, %max3A_10 : vector<400x64xf32>
    %get3A_12 = arith.constant 0 : index
    %get3A_13 = arith.constant 0 : index
    %get3A_14 = vector.load %arg4[%get3A_12, %get3A_13] : memref<64x16xf32, #tpu.memory_space<vmem>>, vector<64x16xf32>
    %dot_general3A_15 = arith.constant dense<0.000000e+00> : vector<400x16xf32>
    %dot_general3A_16 = tpu.matmul %max3A_11, %get3A_14, %dot_general3A_15 {dimension_numbers = #tpu.dot_dimension_numbers<[1], [0], [0], [1], [0, 0, 1, 1], [], []>, transpose_lhs_hint = false} : vector<400x64xf32>, vector<64x16xf32>, vector<400x16xf32> -> vector<400x16xf32>
    %get3A_17 = arith.constant 0 : index
    %get3A_18 = arith.constant 0 : index
    %get3A_19 = vector.load %arg5[%get3A_17, %get3A_18] : memref<1x16xf32, #tpu.memory_space<vmem>>, vector<1x16xf32>
    %add3A_20 = vector.broadcast %get3A_19 : vector<1x16xf32> to vector<400x16xf32>
    %add3A_21 = arith.addf %dot_general3A_16, %add3A_20 : vector<400x16xf32>
    %swap3A = arith.constant 0 : index
    %swap3A_22 = arith.constant 0 : index
    %swap3A_23 = vector.load %arg6[%swap3A, %swap3A_22] : memref<400x16xf32, #tpu.memory_space<vmem>>, vector<400x16xf32>
    tpu.vector_store %arg6[%swap3A, %swap3A_22], %add3A_21 {strides = array<i32>} : memref<400x16xf32, #tpu.memory_space<vmem>>, vector<400x16xf32>,
    return
  }
  func.func @transform_0(%arg0: i32) -> (i32, i32) {
    %c0_i32 = arith.constant 0 : i32
    %c0_i32_0 = arith.constant 0 : i32
    return %arg0, %c0_i32 : i32, i32
  }
  func.func @transform_1(%arg0: i32) -> (i32, i32) {
    %c0_i32 = arith.constant 0 : i32
    %c0_i32_0 = arith.constant 0 : i32
    %c0_i32_1 = arith.constant 0 : i32
    return %c0_i32, %c0_i32_0 : i32, i32
  }
  func.func @transform_2(%arg0: i32) -> (i32, i32) {
    %c0_i32 = arith.constant 0 : i32
    %c0_i32_0 = arith.constant 0 : i32
    %c0_i32_1 = arith.constant 0 : i32
    return %c0_i32, %c0_i32_0 : i32, i32
  }
  func.func @transform_3(%arg0: i32) -> (i32, i32) {
    %c0_i32 = arith.constant 0 : i32
    %c0_i32_0 = arith.constant 0 : i32
    %c0_i32_1 = arith.constant 0 : i32
    return %c0_i32, %c0_i32_0 : i32, i32
  }
  func.func @transform_4(%arg0: i32) -> (i32, i32) {
    %c0_i32 = arith.constant 0 : i32
    %c0_i32_0 = arith.constant 0 : i32
    %c0_i32_1 = arith.constant 0 : i32
    return %c0_i32, %c0_i32_0 : i32, i32
  }
  func.func @transform_5(%arg0: i32) -> (i32, i32) {
    %c0_i32 = arith.constant 0 : i32
    %c0_i32_0 = arith.constant 0 : i32
    return %arg0, %c0_i32 : i32, i32
  }
}

</mosaic_0001>

<sc_bundles>
// kernel: kernel.10.cloned.1.call-start
scs
__scs_entry_jumppad:
0x0: {  	(pc) =	sbr.rel $0x88, $3  }
0x1: {  	(tag) =	ssettag $0x0;
	lr =	simm.s32 $0x1  }
0x2: {  	[smem:$0x3F97] =	sst lr;
	_ =	strace $0xD0000000  }
0x3: {  	_ = 	snop  }
0x4: {  	_ = 	snop  }
0x5: {  	_ = 	snop  }
0x6: {  	_ = 	snop  }
0x7: {  	_ = 	snop  }
__scs_overlays_trampoline_lowered:
0x8: {  	[smem:$0x3FA6] =	sst s0  }
0x9: {  	[smem:$0x3FA7] =	sst s1  }
0xa: {  	[smem:$0x3FA8] =	sst s2  }
0xb: {  	[smem:$0x3FA9] =	sst s3  }
0xc: {  	[smem:$0x3FAA] =	sst s4  }
0xd: {  	[smem:$0x3FAB] =	sst s5  }
0xe: {  	[smem:$0x3FAC] =	sst s6  }
0xf: {  	[smem:$0x3FAD] =	sst s7  }
0x10: {  	[smem:$0x3FAE] =	sst s8  }
0x11: {  	[smem:$0x3FAF] =	sst s9;
	s0 =	simm.s32 @!p0 $0x0  }
0x12: {  	s1 =	sld [smem:$0x3F95];
	s0 =	simm.s32 @p0 $0x1  }
0x13: {  	[smem:$0x3FB0] =	sst s0;
	s0 =	simm.s32 @!p1 $0x0  }
0x14: {  	s2 =	sld [smem:$0x3F94];
	s0 =	simm.s32 @p1 $0x1  }
0x15: {  	[smem:$0x3FB1] =	sst s0;
	s0 =	simm.s32 @!p2 $0x0  }
0x16: {  	s3 =	sld [smem:$0x3FDB];
	s0 =	simm.s32 @p2 $0x1  }
0x17: {  	s4 =	simm.s32 $0x1BF5;
	[smem:$0x3FB3] =	sst s0  }
0x18: {  	s0 =	sld [smem:$0x3F96];
	_ =	swait.ge [sflag:s4], $0x0  }
0x19: {  	s7 =	sld [smem:$0x3F97]  }
0x1a: {  	s8 =	sadd.s32 $0xFFFFE003, lr  }
0x1b: {  	s9 =	sadd.s32 $0xFFFFFEF7, lr;
	s5 =	simm.s32 $0xFFFFFFFF;
	p2 =	slt.u32 s8, $0xFFFFF086  }
0x1c: {  	p1 =	slt.u32 s9, $0xF7A;
	s5 =	simm.s32 @!p2 $0x0  }
0x1d: {  	s5 =	simm.s32 @p1 $0x1;
	p0 =	seq.s32 s7, s2  }
0x1e: {  	s7 =	smul.u32 @!p0 $0xF7A, s2;
	p2 =	seq.s32 @!p0 s5, $0x0  }
0x1f: {  	s9 =	smul.u32 $0xF7A, s1;
	s8 =	simm.s32 @!p0 $0x1BF5;
	p2 =	por !p2, p0  }
0x20: {  	[sflag:s8] =	ssyncset.s32 @!p0 $0xFFFFF086;
	s6 =	sadd.s32 @!p0 s3, s7;
	s7 =	simm.s32 @!p0 $0x108  }
0x21: {  	s3 =	sadd.s32 s3, s9;
	s6 =	sadd.s32 @!p0 $0x88, s6;
	s7 =	simm.s32 @p2 $0x1082  }
0x22: {  	[simem:s7], [sflag:s8] =	dma.local @!p0 [hbm:s6], $0xF7A  }
0x23: {  	s9 =	sor.u32 $0xD0000000, s2;
	s6 =	simm.s32 $0x108;
	_ =	swait.ge @!p0 [sflag:s8], $0x0  }
0x24: {  	s3 =	sadd.s32 $0x88, s3;
	s6 =	simm.s32 @!p1 $0x1082;
	[sflag:s4] =	ssyncset.s32 $0xFFFFF086  }
0x25: {  	[simem:s6], [sflag:s4] =	dma.local [hbm:s3], $0xF7A  }
0x26: {  	[smem:$0x3F97] =	sst s1;
	(tag) =	ssettag s2;
	_ =	strace s9  }
0x27: {  	s1 =	sld [smem:$0x3FA7]  }
0x28: {  	s2 =	sld [smem:$0x3FA8]  }
0x29: {  	s4 =	sld [smem:$0x3FAA]  }
0x2a: {  	p0 =	seq.s32 s5, $0x0;
	s5 =	sld [smem:$0x3FAB]  }
0x2b: {  	s6 =	sld [smem:$0x3FAC]  }
0x2c: {  	s7 =	sld [smem:$0x3FAD]  }
0x2d: {  	s3 =	simm.s32 $0x108;
	s8 =	sld [smem:$0x3FAE]  }
0x2e: {  	s3 =	simm.s32 @!p0 $0x1082;
	s9 =	sld [smem:$0x3FAF]  }
0x2f: {  	lr =	sadd.s32 s0, s3;
	s0 =	sld [smem:$0x3FA6]  }
0x30: {  	s3 =	sld [smem:$0x3FA9]  }
0x31: {  	[smem:$0x3FB2] =	sst s10  }
0x32: {  	s10 =	sld [smem:$0x3FB0];
	_ =	sdelay $0x3  }
0x33: {  	p0 =	seq.s32 s10, $0x1;
	s10 =	sld [smem:$0x3FB2];
	_ =	sdelay $0x3  }
0x34: {  	[smem:$0x3FB2] =	sst s10  }
0x35: {  	s10 =	sld [smem:$0x3FB1];
	_ =	sdelay $0x3  }
0x36: {  	p1 =	seq.s32 s10, $0x1;
	s10 =	sld [smem:$0x3FB2];
	_ =	sdelay $0x3  }
0x37: {  	[smem:$0x3FB2] =	sst s10  }
0x38: {  	s10 =	sld [smem:$0x3FB3]  }
0x39: {  	_ = 	snop;
	(pc) =	sbr.ind lr, $3  }
0x3a: {  	_ = 	snop  }
0x3b: {  	_ = 	snop  }
0x3c: {  	p2 =	seq.s32 s10, $0x1;
	s10 =	sld [smem:$0x3FB2]  }
0x3d: {  	_ =	shalt  }
0x3e: {  	_ =	shalt  }
0x3f: {  	_ =	shalt  }
0x40: {  	_ =	shalt  }
0x41: {  	_ =	shalt  }
0x42: {  	_ =	shalt  }
0x43: {  	_ =	shalt  }
0x44: {  	_ =	shalt  }
0x45: {  	_ =	shalt  }
0x46: {  	_ =	shalt  }
0x47: {  	_ =	shalt  }
0x48: {  	_ =	shalt  }
0x49: {  	_ =	shalt  }
0x4a: {  	_ =	shalt  }
0x4b: {  	_ =	shalt  }
0x4c: {  	_ =	shalt  }
0x4d: {  	_ =	shalt  }
0x4e: {  	_ =	shalt  }
0x4f: {  	_ =	shalt  }
0x50: {  	_ =	shalt  }
0x51: {  	_ =	shalt  }
0x52: {  	_ =	shalt  }
0x53: {  	_ =	shalt  }
0x54: {  	_ =	shalt  }
0x55: {  	_ =	shalt  }
0x56: {  	_ =	shalt  }
0x57: {  	_ =	shalt  }
0x58: {  	_ =	shalt  }
0x59: {  	_ =	shalt  }
0x5a: {  	_ =	shalt  }
0x5b: {  	_ =	shalt  }
0x5c: {  	_ =	shalt  }
0x5d: {  	_ =	shalt  }
0x5e: {  	_ =	shalt  }
0x5f: {  	_ =	shalt  }
0x60: {  	_ =	shalt  }
0x61: {  	_ =	shalt  }
0x62: {  	_ =	shalt  }
0x63: {  	_ =	shalt  }
0x64: {  	_ =	shalt  }
0x65: {  	_ =	shalt  }
0x66: {  	_ =	shalt  }
0x67: {  	_ =	shalt  }
0x68: {  	_ =	shalt  }
0x69: {  	_ =	shalt  }
0x6a: {  	_ =	shalt  }
0x6b: {  	_ =	shalt  }
0x6c: {  	_ =	shalt  }
0x6d: {  	_ =	shalt  }
0x6e: {  	_ =	shalt  }
0x6f: {  	_ =	shalt  }
0x70: {  	_ =	shalt  }
0x71: {  	_ =	shalt  }
0x72: {  	_ =	shalt  }
0x73: {  	_ =	shalt  }
0x74: {  	_ =	shalt  }
0x75: {  	_ =	shalt  }
0x76: {  	_ =	shalt  }
0x77: {  	_ =	shalt  }
0x78: {  	_ =	shalt  }
0x79: {  	_ =	shalt  }
0x7a: {  	_ =	shalt  }
0x7b: {  	_ =	shalt  }
0x7c: {  	_ =	shalt  }
0x7d: {  	_ =	shalt  }
0x7e: {  	_ =	shalt  }
0x7f: {  	_ =	shalt  }
0x80: {  	_ =	shalt  }
0x81: {  	_ =	shalt  }
0x82: {  	_ =	shalt  }
0x83: {  	_ =	shalt  }
0x84: {  	_ =	shalt  }
0x85: {  	_ =	shalt  }
0x86: {  	_ =	shalt  }
0x87: {  	_ =	shalt  }
.Lfunc_end0:
.L_simem_size_0:
called_computation.2_lowered:
.L_overlay_start_0:
0x88: {  	s2 =	sld [smem:$0x3FD9]  }
0x89: {  	s3 =	sld [smem:$0x3FFE];
	_ =	sdelay $0x1  }
0x8a: {  	s1 =	srdreg.scid  }
0x8b: {  	s0 =	sand.u32 $0x1, s1  }
0x8c: {  	s16 =	sshll.u32 s0, $0xA;
	s2 =	sadd.s32 s3, s2  }
0x8d: {  	s2 =	sadd.s32 s2, s16  }
0x8e: {  	[smem:$0x3FBE] =	sst s2  }
0x8f: {  	_ = 	snop  }
0x90: {  	(tm) =	ssettm $0x1  }
0x91: {  	s17 =	sld [smem:$0x3FFB];
	_ =	sdelay $0x3  }
0x92: {  	_ =	strace s17  }
0x93: {  	s2 =	sld [smem:$0x3FFC];
	_ =	sdelay $0x3  }
0x94: {  	_ =	strace s2  }
0x95: {  	s2 =	sld [smem:$0x3FFD];
	_ =	sdelay $0x3  }
0x96: {  	_ =	strace s2  }
0x97: {  	_ =	strace $0x8FFFFFFF  }
0x98: {  	s18 =	sld [smem:$0x3FDB];
	_ =	sdelay $0x1  }
0x99: {  	s19 =	simm.s32 $_scs_section_size  }
0x9a: {  	s4 =	simm.s32 $_size__tile_overlayer_lowered;
	s5 =	simm.s32 $_tile_overlayer_lowered  }
0x9b: {  	s22 =	simm.s32 $0x1BFF;
	s21 =	sshll.u32 s5, $0x1;
	s2 =	sadd.s32 s19, s18  }
0x9c: {  	s6 =	simm.s32 $0x0;
	s20 =	sshll.u32 s4, $0x1;
	s4 =	sadd.s32 s21, s2  }
0x9d: {  	[timem:s6], [sflag:s22] =	dma.local [hbm:s4], s20  }
0x9e: {  	_ =	swait.ge [sflag:s22], s20  }
0x9f: {  	s3 =	ssub.s32 $0x0, s20;
	[sflag:s22] =	ssyncset.done $0x0  }
0xa0: {  	[sflag:s22] =	ssyncadd.s32 s3;
	_ =	sdelay $0x1  }
0xa1: {  	s23 =	simm.s32 $0x1B8B  }
0xa2: {  	_ =	swait.ge [sflag:s23], $0x1  }
0xa3: {  	[sflag:s23] =	ssyncset.done $0x0  }
0xa4: {  	s25 =	simm.s32 $0x1B8E;
	s24 =	sld [smem:$0x3FFE];
	[sflag:s23] =	ssyncadd.s32 $0xFFFFFFFF  }
0xa5: {  	s26 =	simm.s32 $execute0_lowered;
	[smem:$0x3FD2] =	sst s25  }
0xa6: {  	s4 =	sshll.u32 s26, $0x1;
	_ =	strace $0x80000046;
	[dreg:$0x1] =	wrdreg $0xFFFFFFFF  }
0xa7: {  	s28 =	simm.s32 $_size_execute0_lowered;
	s2 =	sadd.s32 s2, s4;
	[dreg:$0x0] =	wrdreg $0x0  }
0xa8: {  	s4 =	sshll.u32 s28, $0x1;
	[dreg:$0x2] =	wrdreg s2  }
0xa9: {  	[dreg:$0x3] =	wrdreg s4  }
0xaa: {  	[dreg:$0x4] =	wrdreg $0xC0  }
0xab: {  	_ =	task [dreg:s6], $0x5FFFF  }
0xac: {  	[dreg:$0x1] =	wrdreg $0xFFFFFFFF  }
0xad: {  	[dreg:$0x0] =	wrdreg $0x60  }
0xae: {  	[dreg:$0x2] =	wrdreg s24  }
0xaf: {  	[dreg:$0x3] =	wrdreg $0x4800  }
0xb0: {  	[dreg:$0x4] =	wrdreg $0xA  }
0xb1: {  	_ =	task.clear_ibuf [dreg:s6], $0x5FFFF;
	_ =	strace $0x90000046  }
0xb2: {  	s29 =	simm.s32 $0xA;
	_ =	strace $0x80000048  }
0xb3: {  	_ =	swait.ge [sflag:s29], $0x1  }
0xb4: {  	[sflag:s29] =	ssyncadd.s32 $0xFFFFFFFF  }
0xb5: {  	_ =	strace $0x90000048  }
0xb6: {  	_ =	sfence  }
0xb7: {  	s30 =	sld [smem:$0x0];
	_ =	sdelay $0x2  }
0xb8: {  	s31 =	sshll.u32 s1, $0xD;
	s1 =	sshrl.u32 s1, $0x2  }
0xb9: {  	s3 =	sand.u32 $0x4000, s31;
	s1 =	sadd.s32 s1, s30  }
0xba: {  	s0 =	sor.u32 s3, s0;
	s1 =	sshll.u32 s1, $0x11  }
0xbb: {  	s0 =	sor.u32 s1, s0  }
0xbc: {  	s0 =	sadd.s32 $0x8F2B, s0  }
0xbd: {  	[sflag:s0] =	ssyncadd.remote.s32 $0x1  }
0xbe: {  	_ =	sfence.sel $0xFFFF  }
0xbf: {  	[dreg:$0x0] =	wrdreg $0xFFFFFFFF;
	(pc) =	sbr.abs _section_cstart, $3  }
0xc0: {  	[dreg:$0x1] =	wrdreg $0xFFFFFFFF  }
0xc1: {  	_ =	task.clear_ibuf [dreg:s6], $0x2FFFF;
	_ =	strace $0x9FFFFFFF  }
0xc2: {  	(tm) =	ssettm $0x7FFFFFFF  }
0xc3: {  	_ =	shalt  }
tec
execute0_lowered:
.L_overlay_start_1:
0x0: {  	(tag) =	ssettag $0x1  }
0x1: {  	s5 =	rddreg [dreg:$0x0]  }
0x2: {  	s2 =	rddreg [dreg:$0x1]  }
0x3: {  	s0 =	rddreg [dreg:$0x2];
	s3 =	simm.s32 $0x0  }
0x4: {  	s1 =	stileid.u32;
	s6 =	srdreg.scid;
	s14 =	simm.s32 $0x0  }
0x5: {  	[smem:$0x7FF] =	sst s3;
	s4 =	sshll.u32 s1, $0x4;
	s7 =	smul.u32 $0x61C0, s1  }
0x6: {  	s10 =	sand.u32 $0x1, s6;
	s12 =	smul.u32 $0x18700, s1;
	s31 =	sshll.u32 s1, $0x6  }
0x7: {  	_ =	strace $0x80000047;
	s9 =	sadd.s32 s4, s5;
	s4 =	sadd.s32 $0x19000, s5  }
0x8: {  	s8 =	ssub.s32 $0x2, s10;
	p0 =	sne.s32 s10, $0x0;
	s10 =	simm.s32 $0x80  }
.Ltmp0:
0x9: {  	s29 =	sshrl.u32 s7, $0x3;
	s11 =	sshrl.u32 s8, $0x1;
	(pc) =	sbr.rel .LBB2_1-.Ltmp0, $4  }
0xa: {  	s13 =	sadd.s32 s7, s2;
	s30 =	sshrl.u32 s12, $0x2;
	s9 =	sadd.s32 $0x600, s9  }
0xb: {  	s12 =	sor.u32 $0x1C01, s31;
	s6 =	sadd.s32 s29, s5;
	s5 =	sadd.s32 $0x18E00, s5  }
0xc: {  	s8 =	ssub.s32 s8, s11;
	s11 =	simm.s32 $0x1;
	s13 =	sshrl.u32 s13, $0x3  }
0xd: {  	s6 =	sadd.s32 $0x19200, s6;
	s7 =	smax.u32 s8, $0x1;
	s8 =	sadd.s32 s30, s2  }
.LBB2_9:
0xe: {  	[bflag:$0x0] =	sbarrier.arrive $0xFFFF  }
0xf: {  	[bflag:$0x0] =	sbarrier.arrive $0xFFFF  }
.LBB2_7:
0x10: {  	s14 =	sadd.s32 $0x1, s14  }
0x11: {  	p1 =	sne.s32 s14, s7  }
.Ltmp1:
0x12: {  	_ = 	snop;
	(pc) =	sbr.rel @!p1 .LBB2_8-.Ltmp1, $1  }
0x13: {  	_ =	sdelay $0x3  }
.LBB2_1:
.Ltmp2:
0x14: {  	(pc) =	sbr.rel @p0 .LBB2_9-.Ltmp2, $4  }
0x15: {  	[tilespmem:s10], [sflag:$0x1] =	stream.linear.gather [hbm4b:s5+s3], $0x400, $0x38;
	[tilespmem:$0x6640] =	vst v63  }
0x16: {  	_ =	swait.ge [sflag:s11], $0x400  }
0x17: {  	[sflag:s11] =	ssyncset.done $0x0  }
0x18: {  	[sflag:s11] =	ssyncadd.s32 $0xFFFFFC00  }
0x19: {  	s15 =	sadd.s32 $0x0, s8  }
0x1a: {  	s15 =	sshrl.u32 s15, $0x3  }
0x1b: {  	[spmem:s15], [sflag:s12] =	dma.local [hbm:s4], $0x88  }
0x1c: {  	s15 =	simm.s32 $0x1100;
	_ =	swait.ge [sflag:s11], $0x88  }
.LBB2_3:
0x1d: {  	s16 =	sshra.s32 s15, $0x2;
	[sflag:s11] =	ssyncset.done $0x0;
	p1 =	sne.s32 s15, $0x17600  }
.Ltmp3:
0x1e: {  	s16 =	sadd.s32 s16, s8;
	[sflag:s11] =	ssyncadd.s32 $0xFFFFFF78;
	(pc) =	sbr.rel @p1 .LBB2_3-.Ltmp3, $4  }
0x1f: {  	s15 =	sadd.s32 $0x1100, s15;
	s16 =	sshrl.u32 s16, $0x3  }
0x20: {  	[spmem:s16], [sflag:s12] =	dma.local [hbm:s4], $0x88  }
0x21: {  	_ = 	snop  }
0x22: {  	_ =	swait.ge [sflag:s11], $0x88  }
0x23: {  	[sflag:s11] =	ssyncset.done $0x0  }
0x24: {  	[sflag:s11] =	ssyncadd.s32 $0xFFFFFF78  }
0x25: {  	s15 =	sadd.s32 $0x0, s9;
	[bflag:$0x0] =	sbarrier.arrive $0xFFFF  }
0x26: {  	[tilespmem:s3], [sflag:$0x1] =	stream.linear.gather [hbm4b:s15+s3], $0x80, $0x38;
	[tilespmem:$0x6640] =	vst v63  }
0x27: {  	_ =	swait.ge [sflag:s11], $0x80  }
0x28: {  	[sflag:s11] =	ssyncset.done $0x0  }
0x29: {  	[sflag:s11] =	ssyncadd.s32 $0xFFFFFF80  }
0x2a: {  	[spmem:s2] =	stream.indirect.scatter.add.f32 [tilespmem:s10], [sflag:$0x1], $0x8, s3, s10, $0xb8;
	[tilespmem:$0x6640] =	vst v63  }
0x2b: {  	_ =	swait.ge [sflag:s11], $0x400  }
0x2c: {  	s16 =	simm.s32 $0x200;
	s15 =	simm.s32 $0x100;
	[sflag:s11] =	ssyncset.done $0x0  }
.LBB2_5:
0x2d: {  	s17 =	sadd.s32 s15, s9  }
0x2e: {  	[sflag:s11] =	ssyncadd.s32 $0xFFFFFC00;
	s15 =	smov.u32 s16;
	s18 =	sadd.s32 $0x100, s16  }
0x2f: {  	[tilespmem:s3], [sflag:$0x1] =	stream.linear.gather [hbm4b:s17+s3], $0x80, $0x38;
	[tilespmem:$0x6640] =	vst v63  }
0x30: {  	p1 =	seq.s32 s16, $0x18600;
	_ =	swait.ge [sflag:s11], $0x80  }
.Ltmp4:
0x31: {  	[sflag:s11] =	ssyncset.done $0x0;
	(pc) =	sbr.rel @!p1 .LBB2_5-.Ltmp4, $4  }
0x32: {  	[sflag:s11] =	ssyncadd.s32 $0xFFFFFF80  }
0x33: {  	[spmem:s2] =	stream.indirect.scatter.add.f32 [tilespmem:s10], [sflag:$0x1], $0x8, s3, s10, $0xb8;
	[tilespmem:$0x6640] =	vst v63  }
0x34: {  	_ =	swait.ge [sflag:s11], $0x400  }
0x35: {  	s16 =	smov.u32 s18;
	[sflag:s11] =	ssyncset.done $0x0  }
0x36: {  	s15 =	sadd.s32 s15, s9;
	[sflag:s11] =	ssyncadd.s32 $0xFFFFFC00  }
0x37: {  	[tilespmem:s3], [sflag:$0x1] =	stream.linear.gather [hbm4b:s15+s3], $0x80, $0x38;
	[tilespmem:$0x6640] =	vst v63  }
0x38: {  	_ =	swait.ge [sflag:s11], $0x80  }
0x39: {  	[sflag:s11] =	ssyncset.done $0x0  }
0x3a: {  	[sflag:s11] =	ssyncadd.s32 $0xFFFFFF80  }
0x3b: {  	[spmem:s2] =	stream.indirect.scatter.add.f32 [tilespmem:s10], [sflag:$0x1], $0x8, s3, s10, $0xb8;
	[tilespmem:$0x6640] =	vst v63  }
0x3c: {  	_ =	swait.ge [sflag:s11], $0x400  }
0x3d: {  	[sflag:s11] =	ssyncset.done $0x0  }
0x3e: {  	[sflag:s11] =	ssyncadd.s32 $0xFFFFFC00  }
.Ltmp5:
0x3f: {  	[bflag:$0x0] =	sbarrier.arrive $0xFFFF;
	(pc) =	sbr.rel .LBB2_7-.Ltmp5, $4  }
0x40: {  	[hbm:s6], [sflag:s12] =	dma.local [spmem:s13], $0xC38  }
0x41: {  	_ =	swait.ge [sflag:s11], $0xC38  }
0x42: {  	[sflag:s11] =	ssyncset.done $0x0  }
0x43: {  	[sflag:s11] =	ssyncadd.s32 $0xFFFFF3C8  }
.LBB2_8:
0x44: {  	_ =	sfence.sel $0x180000  }
0x45: {  	[bflag:$0x0] =	sbarrier.arrive $0xFFFF  }
0x46: {  	p0 =	sne.s32 s1, $0x0;
	_ =	strace $0x90000047  }
0x47: {  	s0 =	sadd.s32 @!p0 $0x100000, s0;
	[bflag:$0x2] =	sbarrier.arrive $0xFFFF  }
0x48: {  	[sflag:s0] =	ssyncadd.tile.s32 @!p0 $0x1;
	_ =	shalt  }
.Lfunc_end2:
_tile_overlayer_lowered:
.L_overlay_start_2:
0x49: {  	(tag) =	ssettag $0x2  }
0x4a: {  	s0 =	rddreg [dreg:$0x0];
	s2 =	stileid.u32  }
0x4b: {  	s1 =	rddreg [dreg:$0x1];
	p0 =	sne.s32 s2, $0x0  }
0x4c: {  	s3 =	rddreg [dreg:$0x2];
	[bflag:$0x3] =	sbarrier.arrive $0xFFFF;
	s2 =	simm.s32 @!p0 $0x1C01  }
0x4d: {  	[timem:s3], [sflag:s2] =	dma.local @!p0 [hbm:s0], s1  }
0x4e: {  	s0 =	simm.s32 @!p0 $0x1  }
0x4f: {  	_ =	swait.ge @!p0 [sflag:s0], s1  }
0x50: {  	s1 =	ssub.s32 @!p0 $0x0, s1;
	[sflag:s0] =	ssyncset.done @!p0 $0x0  }
0x51: {  	[sflag:s0] =	ssyncadd.s32 @!p0 s1  }
0x52: {  	[bflag:$0x3] =	sbarrier.arrive $0xFFFF  }
0x53: {  	_ =	shalt  }

// kernel: kernel.7.cloned.1.call-start
scs
__scs_entry_jumppad:
0x0: {  	(pc) =	sbr.rel $0x88, $3  }
0x1: {  	(tag) =	ssettag $0x0;
	lr =	simm.s32 $0x1  }
0x2: {  	[smem:$0x3F97] =	sst lr;
	_ =	strace $0xD0000000  }
0x3: {  	_ = 	snop  }
0x4: {  	_ = 	snop  }
0x5: {  	_ = 	snop  }
0x6: {  	_ = 	snop  }
0x7: {  	_ = 	snop  }
__scs_overlays_trampoline_lowered:
0x8: {  	[smem:$0x3FA6] =	sst s0  }
0x9: {  	[smem:$0x3FA7] =	sst s1  }
0xa: {  	[smem:$0x3FA8] =	sst s2  }
0xb: {  	[smem:$0x3FA9] =	sst s3  }
0xc: {  	[smem:$0x3FAA] =	sst s4  }
0xd: {  	[smem:$0x3FAB] =	sst s5  }
0xe: {  	[smem:$0x3FAC] =	sst s6  }
0xf: {  	[smem:$0x3FAD] =	sst s7  }
0x10: {  	[smem:$0x3FAE] =	sst s8  }
0x11: {  	[smem:$0x3FAF] =	sst s9;
	s0 =	simm.s32 @!p0 $0x0  }
0x12: {  	s1 =	sld [smem:$0x3F95];
	s0 =	simm.s32 @p0 $0x1  }
0x13: {  	[smem:$0x3FB0] =	sst s0;
	s0 =	simm.s32 @!p1 $0x0  }
0x14: {  	s2 =	sld [smem:$0x3F94];
	s0 =	simm.s32 @p1 $0x1  }
0x15: {  	[smem:$0x3FB1] =	sst s0;
	s0 =	simm.s32 @!p2 $0x0  }
0x16: {  	s3 =	sld [smem:$0x3FDB];
	s0 =	simm.s32 @p2 $0x1  }
0x17: {  	s4 =	simm.s32 $0x1BF5;
	[smem:$0x3FB3] =	sst s0  }
0x18: {  	s0 =	sld [smem:$0x3F96];
	_ =	swait.ge [sflag:s4], $0x0  }
0x19: {  	s7 =	sld [smem:$0x3F97]  }
0x1a: {  	s8 =	sadd.s32 $0xFFFFE003, lr  }
0x1b: {  	s9 =	sadd.s32 $0xFFFFFEF7, lr;
	s5 =	simm.s32 $0xFFFFFFFF;
	p2 =	slt.u32 s8, $0xFFFFF086  }
0x1c: {  	p1 =	slt.u32 s9, $0xF7A;
	s5 =	simm.s32 @!p2 $0x0  }
0x1d: {  	s5 =	simm.s32 @p1 $0x1;
	p0 =	seq.s32 s7, s2  }
0x1e: {  	s7 =	smul.u32 @!p0 $0xF7A, s2;
	p2 =	seq.s32 @!p0 s5, $0x0  }
0x1f: {  	s9 =	smul.u32 $0xF7A, s1;
	s8 =	simm.s32 @!p0 $0x1BF5;
	p2 =	por !p2, p0  }
0x20: {  	[sflag:s8] =	ssyncset.s32 @!p0 $0xFFFFF086;
	s6 =	sadd.s32 @!p0 s3, s7;
	s7 =	simm.s32 @!p0 $0x108  }
0x21: {  	s3 =	sadd.s32 s3, s9;
	s6 =	sadd.s32 @!p0 $0x88, s6;
	s7 =	simm.s32 @p2 $0x1082  }
0x22: {  	[simem:s7], [sflag:s8] =	dma.local @!p0 [hbm:s6], $0xF7A  }
0x23: {  	s9 =	sor.u32 $0xD0000000, s2;
	s6 =	simm.s32 $0x108;
	_ =	swait.ge @!p0 [sflag:s8], $0x0  }
0x24: {  	s3 =	sadd.s32 $0x88, s3;
	s6 =	simm.s32 @!p1 $0x1082;
	[sflag:s4] =	ssyncset.s32 $0xFFFFF086  }
0x25: {  	[simem:s6], [sflag:s4] =	dma.local [hbm:s3], $0xF7A  }
0x26: {  	[smem:$0x3F97] =	sst s1;
	(tag) =	ssettag s2;
	_ =	strace s9  }
0x27: {  	s1 =	sld [smem:$0x3FA7]  }
0x28: {  	s2 =	sld [smem:$0x3FA8]  }
0x29: {  	s4 =	sld [smem:$0x3FAA]  }
0x2a: {  	p0 =	seq.s32 s5, $0x0;
	s5 =	sld [smem:$0x3FAB]  }
0x2b: {  	s6 =	sld [smem:$0x3FAC]  }
0x2c: {  	s7 =	sld [smem:$0x3FAD]  }
0x2d: {  	s3 =	simm.s32 $0x108;
	s8 =	sld [smem:$0x3FAE]  }
0x2e: {  	s3 =	simm.s32 @!p0 $0x1082;
	s9 =	sld [smem:$0x3FAF]  }
0x2f: {  	lr =	sadd.s32 s0, s3;
	s0 =	sld [smem:$0x3FA6]  }
0x30: {  	s3 =	sld [smem:$0x3FA9]  }
0x31: {  	[smem:$0x3FB2] =	sst s10  }
0x32: {  	s10 =	sld [smem:$0x3FB0];
	_ =	sdelay $0x3  }
0x33: {  	p0 =	seq.s32 s10, $0x1;
	s10 =	sld [smem:$0x3FB2];
	_ =	sdelay $0x3  }
0x34: {  	[smem:$0x3FB2] =	sst s10  }
0x35: {  	s10 =	sld [smem:$0x3FB1];
	_ =	sdelay $0x3  }
0x36: {  	p1 =	seq.s32 s10, $0x1;
	s10 =	sld [smem:$0x3FB2];
	_ =	sdelay $0x3  }
0x37: {  	[smem:$0x3FB2] =	sst s10  }
0x38: {  	s10 =	sld [smem:$0x3FB3]  }
0x39: {  	_ = 	snop;
	(pc) =	sbr.ind lr, $3  }
0x3a: {  	_ = 	snop  }
0x3b: {  	_ = 	snop  }
0x3c: {  	p2 =	seq.s32 s10, $0x1;
	s10 =	sld [smem:$0x3FB2]  }
0x3d: {  	_ =	shalt  }
0x3e: {  	_ =	shalt  }
0x3f: {  	_ =	shalt  }
0x40: {  	_ =	shalt  }
0x41: {  	_ =	shalt  }
0x42: {  	_ =	shalt  }
0x43: {  	_ =	shalt  }
0x44: {  	_ =	shalt  }
0x45: {  	_ =	shalt  }
0x46: {  	_ =	shalt  }
0x47: {  	_ =	shalt  }
0x48: {  	_ =	shalt  }
0x49: {  	_ =	shalt  }
0x4a: {  	_ =	shalt  }
0x4b: {  	_ =	shalt  }
0x4c: {  	_ =	shalt  }
0x4d: {  	_ =	shalt  }
0x4e: {  	_ =	shalt  }
0x4f: {  	_ =	shalt  }
0x50: {  	_ =	shalt  }
0x51: {  	_ =	shalt  }
0x52: {  	_ =	shalt  }
0x53: {  	_ =	shalt  }
0x54: {  	_ =	shalt  }
0x55: {  	_ =	shalt  }
0x56: {  	_ =	shalt  }
0x57: {  	_ =	shalt  }
0x58: {  	_ =	shalt  }
0x59: {  	_ =	shalt  }
0x5a: {  	_ =	shalt  }
0x5b: {  	_ =	shalt  }
0x5c: {  	_ =	shalt  }
0x5d: {  	_ =	shalt  }
0x5e: {  	_ =	shalt  }
0x5f: {  	_ =	shalt  }
0x60: {  	_ =	shalt  }
0x61: {  	_ =	shalt  }
0x62: {  	_ =	shalt  }
0x63: {  	_ =	shalt  }
0x64: {  	_ =	shalt  }
0x65: {  	_ =	shalt  }
0x66: {  	_ =	shalt  }
0x67: {  	_ =	shalt  }
0x68: {  	_ =	shalt  }
0x69: {  	_ =	shalt  }
0x6a: {  	_ =	shalt  }
0x6b: {  	_ =	shalt  }
0x6c: {  	_ =	shalt  }
0x6d: {  	_ =	shalt  }
0x6e: {  	_ =	shalt  }
0x6f: {  	_ =	shalt  }
0x70: {  	_ =	shalt  }
0x71: {  	_ =	shalt  }
0x72: {  	_ =	shalt  }
0x73: {  	_ =	shalt  }
0x74: {  	_ =	shalt  }
0x75: {  	_ =	shalt  }
0x76: {  	_ =	shalt  }
0x77: {  	_ =	shalt  }
0x78: {  	_ =	shalt  }
0x79: {  	_ =	shalt  }
0x7a: {  	_ =	shalt  }
0x7b: {  	_ =	shalt  }
0x7c: {  	_ =	shalt  }
0x7d: {  	_ =	shalt  }
0x7e: {  	_ =	shalt  }
0x7f: {  	_ =	shalt  }
0x80: {  	_ =	shalt  }
0x81: {  	_ =	shalt  }
0x82: {  	_ =	shalt  }
0x83: {  	_ =	shalt  }
0x84: {  	_ =	shalt  }
0x85: {  	_ =	shalt  }
0x86: {  	_ =	shalt  }
0x87: {  	_ =	shalt  }
.Lfunc_end0:
.L_simem_size_0:
called_computation.1_lowered:
.L_overlay_start_0:
0x88: {  	s2 =	sld [smem:$0x3FD9]  }
0x89: {  	s3 =	sld [smem:$0x3FFE];
	_ =	sdelay $0x1  }
0x8a: {  	s1 =	srdreg.scid  }
0x8b: {  	s0 =	sand.u32 $0x1, s1  }
0x8c: {  	s17 =	sshll.u32 s0, $0xA;
	s2 =	sadd.s32 s3, s2  }
0x8d: {  	s2 =	sadd.s32 s2, s17  }
0x8e: {  	[smem:$0x3FBE] =	sst s2  }
0x8f: {  	_ = 	snop  }
0x90: {  	(tm) =	ssettm $0x1  }
0x91: {  	s18 =	sld [smem:$0x3FFB];
	_ =	sdelay $0x3  }
0x92: {  	_ =	strace s18  }
0x93: {  	s2 =	sld [smem:$0x3FFC];
	_ =	sdelay $0x3  }
0x94: {  	_ =	strace s2  }
0x95: {  	s2 =	sld [smem:$0x3FFD];
	_ =	sdelay $0x3  }
0x96: {  	_ =	strace s2  }
0x97: {  	_ =	strace $0x8FFFFFFF  }
0x98: {  	s19 =	sld [smem:$0x3FDB];
	_ =	sdelay $0x1  }
0x99: {  	s20 =	simm.s32 $_scs_section_size  }
0x9a: {  	s4 =	simm.s32 $_size__tile_overlayer_lowered;
	s5 =	simm.s32 $_tile_overlayer_lowered  }
0x9b: {  	s6 =	simm.s32 $0x1BFF;
	s21 =	sshll.u32 s5, $0x1;
	s3 =	sadd.s32 s20, s19  }
0x9c: {  	s22 =	simm.s32 $0x0;
	s4 =	sshll.u32 s4, $0x1;
	s5 =	sadd.s32 s21, s3  }
0x9d: {  	[timem:s22], [sflag:s6] =	dma.local [hbm:s5], s4  }
0x9e: {  	_ =	swait.ge [sflag:s6], s4  }
0x9f: {  	s4 =	ssub.s32 $0x0, s4;
	[sflag:s6] =	ssyncset.done $0x0  }
0xa0: {  	[sflag:s6] =	ssyncadd.s32 s4;
	_ =	sdelay $0x1  }
0xa1: {  	s23 =	simm.s32 $0x1B8B  }
0xa2: {  	_ =	swait.ge [sflag:s23], $0x1  }
0xa3: {  	[sflag:s23] =	ssyncset.done $0x0  }
0xa4: {  	[sflag:s23] =	ssyncadd.s32 $0xFFFFFFFF  }
0xa5: {  	s4 =	sld [smem:$0x0]  }
0xa6: {  	s5 =	sand.u32 $0xFFFFFFFE, s1  }
0xa7: {  	p0 =	sne.s32 s1, s5  }
0xa8: {  	s5 =	sshll.u32 @p0 s5, $0xE  }
0xa9: {  	s5 =	sadd.s32 @p0 $0x11B8D, s5;
	s6 =	sshll.u32 @p0 s4, $0x11  }
0xaa: {  	s5 =	sor.u32 @p0 s6, s5  }
0xab: {  	[sflag:s5] =	ssyncadd.remote.s32 @p0 $0x1;
	_ =	sdelay $0x1  }
0xac: {  	s5 =	simm.s32 @p0 $0x1B8D  }
0xad: {  	_ =	swait.eq @p0 [sflag:s5], $0x1  }
0xae: {  	[sflag:s5] =	ssyncadd.s32 @p0 $0xFFFFFFFF  }
0xaf: {  	s6 =	sshll.u32 @!p0 s1, $0xE  }
0xb0: {  	s6 =	sor.u32 @!p0 $0x4000, s6;
	s5 =	simm.s32 @!p0 $0x1B8D  }
0xb1: {  	s4 =	sshll.u32 @!p0 s4, $0x11;
	s6 =	sadd.s32 @!p0 $0x11B8D, s6;
	_ =	swait.eq @!p0 [sflag:s5], $0x1  }
0xb2: {  	s4 =	sor.u32 @!p0 s4, s6;
	[sflag:s5] =	ssyncadd.s32 @!p0 $0xFFFFFFFF  }
0xb3: {  	s25 =	simm.s32 $0x1B8E;
	s24 =	sld [smem:$0x3FFE];
	[sflag:s4] =	ssyncadd.remote.s32 @!p0 $0x1  }
0xb4: {  	s26 =	simm.s32 $execute0_lowered;
	[smem:$0x3FD2] =	sst s25  }
0xb5: {  	s5 =	sshll.u32 s26, $0x1;
	_ =	strace $0x80000049;
	[dreg:$0x1] =	wrdreg $0xFFFFFFFF  }
0xb6: {  	s28 =	simm.s32 $_size_execute0_lowered;
	s3 =	sadd.s32 s3, s5;
	[dreg:$0x0] =	wrdreg $0x0  }
0xb7: {  	s5 =	sshll.u32 s28, $0x1;
	[dreg:$0x2] =	wrdreg s3  }
0xb8: {  	[dreg:$0x3] =	wrdreg s5  }
0xb9: {  	[dreg:$0x4] =	wrdreg $0xC0  }
0xba: {  	_ =	task [dreg:s22], $0x5FFFF  }
0xbb: {  	[dreg:$0x1] =	wrdreg $0xFFFFFFFF  }
0xbc: {  	[dreg:$0x0] =	wrdreg $0x60  }
0xbd: {  	[dreg:$0x2] =	wrdreg s24  }
0xbe: {  	[dreg:$0x3] =	wrdreg $0x11000  }
0xbf: {  	[dreg:$0x4] =	wrdreg $0x9  }
0xc0: {  	_ =	task.clear_ibuf [dreg:s22], $0x5FFFF;
	_ =	strace $0x90000049  }
0xc1: {  	s29 =	simm.s32 $0x9;
	_ =	strace $0x8000004B  }
0xc2: {  	_ =	swait.ge [sflag:s29], $0x1  }
0xc3: {  	[sflag:s29] =	ssyncadd.s32 $0xFFFFFFFF  }
0xc4: {  	_ =	strace $0x9000004B  }
0xc5: {  	_ =	sfence  }
0xc6: {  	s30 =	sld [smem:$0x0];
	_ =	sdelay $0x2  }
0xc7: {  	s31 =	sshll.u32 s1, $0xD;
	s1 =	sshrl.u32 s1, $0x2  }
0xc8: {  	s4 =	sand.u32 $0x4000, s31;
	s1 =	sadd.s32 s1, s30  }
0xc9: {  	s0 =	sor.u32 s4, s0;
	s1 =	sshll.u32 s1, $0x11  }
0xca: {  	s0 =	sor.u32 s1, s0  }
0xcb: {  	s0 =	sadd.s32 $0x8F2B, s0  }
0xcc: {  	[sflag:s0] =	ssyncadd.remote.s32 $0x1  }
0xcd: {  	_ =	sfence.sel $0xFFFF  }
0xce: {  	[dreg:$0x0] =	wrdreg $0xFFFFFFFF;
	(pc) =	sbr.abs _section_cstart, $3  }
0xcf: {  	[dreg:$0x1] =	wrdreg $0xFFFFFFFF  }
0xd0: {  	_ =	task.clear_ibuf [dreg:s22], $0x2FFFF;
	_ =	strace $0x9FFFFFFF  }
0xd1: {  	(tm) =	ssettm $0x7FFFFFFF  }
tec
execute0_lowered:
.L_overlay_start_1:
0x0: {  	(tag) =	ssettag $0x1  }
0x1: {  	s6 =	rddreg [dreg:$0x0]  }
0x2: {  	s1 =	rddreg [dreg:$0x1]  }
0x3: {  	s0 =	rddreg [dreg:$0x2];
	s3 =	simm.s32 $0x0  }
0x4: {  	s2 =	stileid.u32;
	s7 =	srdreg.scid;
	s17 =	simm.s32 $0x0  }
0x5: {  	[smem:$0x7FF] =	sst s3;
	s8 =	sadd.s32 $0x1AC200, s6;
	s5 =	sshll.u32 s2, $0x4  }
0x6: {  	s4 =	sadd.s32 $0x1DD000, s6;
	s7 =	sand.u32 $0x1, s7;
	s9 =	sadd.s32 $0x257800, s6  }
0x7: {  	s12 =	sadd.s32 $0x226A00, s6;
	s13 =	smul.u32 $0x18700, s2;
	s30 =	sshll.u32 s2, $0x6  }
0x8: {  	s15 =	smul.u32 $0x61C00, s2;
	_ =	strace $0x8000004A;
	s11 =	sadd.s32 s5, s6  }
0x9: {  	s5 =	sadd.s32 $0x226600, s6;
	s10 =	ssub.s32 $0x2, s7;
	p0 =	seq.s32 s7, $0x0  }
0xa: {  	s6 =	sor.u32 $0x1C02, s30;
	s29 =	sshrl.u32 s10, $0x1;
	s14 =	sshrl.u32 s13, $0x3  }
0xb: {  	s16 =	sadd.s32 s13, s1;
	s12 =	smov.u32 @p0 s9;
	s4 =	smov.u32 @p0 s8  }
0xc: {  	s31 =	sshrl.u32 s15, $0x2;
	s13 =	simm.s32 $0x80;
	s15 =	simm.s32 $0x1  }
0xd: {  	s10 =	ssub.s32 s10, s29;
	s8 =	sadd.s32 s12, s14;
	s9 =	sadd.s32 s31, s1  }
0xe: {  	s12 =	simm.s32 $0x2;
	s14 =	simm.s32 $0x100;
	s16 =	sshrl.u32 s16, $0x3  }
0xf: {  	s7 =	smax.u32 s10, $0x1;
	s10 =	sadd.s32 $0x20DE00, s11;
	s11 =	sadd.s32 $0x600, s11  }
.LBB2_1:
0x10: {  	s18 =	sadd.s32 $0x0, s9  }
0x11: {  	s18 =	sshrl.u32 s18, $0x3  }
0x12: {  	[spmem:s18], [sflag:s6] =	dma.local [hbm:s5], $0x220  }
0x13: {  	s18 =	simm.s32 $0x4400;
	_ =	swait.ge [sflag:s12], $0x220  }
.LBB2_2:
0x14: {  	s19 =	sshra.s32 s18, $0x2;
	[sflag:s12] =	ssyncset.done $0x0;
	p0 =	sne.s32 s18, $0x5D800  }
.Ltmp0:
0x15: {  	s19 =	sadd.s32 s19, s9;
	[sflag:s12] =	ssyncadd.s32 $0xFFFFFDE0;
	(pc) =	sbr.rel @p0 .LBB2_2-.Ltmp0, $4  }
0x16: {  	s18 =	sadd.s32 $0x4400, s18;
	s19 =	sshrl.u32 s19, $0x3  }
0x17: {  	[spmem:s19], [sflag:s6] =	dma.local [hbm:s5], $0x220  }
0x18: {  	_ = 	snop  }
0x19: {  	_ =	swait.ge [sflag:s12], $0x220  }
0x1a: {  	[sflag:s12] =	ssyncset.done $0x0  }
0x1b: {  	[sflag:s12] =	ssyncadd.s32 $0xFFFFFDE0  }
0x1c: {  	s18 =	sadd.s32 $0x0, s10;
	[bflag:$0x0] =	sbarrier.arrive $0xFFFF  }
0x1d: {  	[tilespmem:s3], [sflag:$0x2] =	stream.linear.gather [hbm4b:s18+s3], $0x80, $0x38;
	[tilespmem:$0x19800] =	vst v63  }
0x1e: {  	_ =	swait.ge [sflag:s12], $0x80  }
0x1f: {  	[sflag:s12] =	ssyncset.done $0x0  }
0x20: {  	s31 =	sadd.s32 $0x0, s11;
	[sflag:s12] =	ssyncadd.s32 $0xFFFFFF80  }
0x21: {  	[tilespmem:s13], [sflag:$0x2] =	stream.linear.gather [hbm4b:s31+s3], $0x80, $0x38;
	[tilespmem:$0x19800] =	vst v63  }
0x22: {  	_ =	swait.ge [sflag:s12], $0x80  }
0x23: {  	[sflag:s12] =	ssyncset.done $0x0  }
0x24: {  	[sflag:s12] =	ssyncadd.s32 $0xFFFFFF80  }
0x25: {  	[tilespmem:s14], [sflag:$0x1] =	stream.indirect.gather [hbm4b:s4+s13], $0x20, s3, s13, $0xb8;
	[tilespmem:$0x19800] =	vst v63  }
0x26: {  	_ =	swait.ge [sflag:s15], $0x1000  }
0x27: {  	[sflag:s15] =	ssyncset.done $0x0  }
0x28: {  	[sflag:s15] =	ssyncadd.s32 $0xFFFFF000  }
0x29: {  	[spmem:s1] =	stream.indirect.scatter.add.f32 [tilespmem:s14], [sflag:$0x2], $0x20, s13, s13, $0xb8;
	[tilespmem:$0x19800] =	vst v63  }
0x2a: {  	_ =	swait.ge [sflag:s12], $0x1000  }
0x2b: {  	s19 =	simm.s32 $0x200;
	s18 =	simm.s32 $0x100;
	[sflag:s12] =	ssyncset.done $0x0  }
.LBB2_4:
0x2c: {  	s20 =	sadd.s32 s18, s10  }
0x2d: {  	[sflag:s12] =	ssyncadd.s32 $0xFFFFF000;
	s21 =	smov.u32 s19;
	s22 =	sadd.s32 $0x100, s19  }
0x2e: {  	[tilespmem:s3], [sflag:$0x2] =	stream.linear.gather [hbm4b:s20+s3], $0x80, $0x38;
	[tilespmem:$0x19800] =	vst v63  }
0x2f: {  	p0 =	sne.s32 s19, $0x18600;
	_ =	swait.ge [sflag:s12], $0x80  }
0x30: {  	[sflag:s12] =	ssyncset.done $0x0  }
0x31: {  	s19 =	sadd.s32 s18, s11;
	s18 =	smov.u32 s21;
	[sflag:s12] =	ssyncadd.s32 $0xFFFFFF80  }
0x32: {  	[tilespmem:s13], [sflag:$0x2] =	stream.linear.gather [hbm4b:s19+s3], $0x80, $0x38;
	[tilespmem:$0x19800] =	vst v63  }
0x33: {  	_ =	swait.ge [sflag:s12], $0x80  }
0x34: {  	[sflag:s12] =	ssyncset.done $0x0  }
0x35: {  	[sflag:s12] =	ssyncadd.s32 $0xFFFFFF80  }
0x36: {  	[tilespmem:s14], [sflag:$0x1] =	stream.indirect.gather [hbm4b:s4+s13], $0x20, s3, s13, $0xb8;
	[tilespmem:$0x19800] =	vst v63  }
0x37: {  	_ =	swait.ge [sflag:s15], $0x1000  }
.Ltmp1:
0x38: {  	[sflag:s15] =	ssyncset.done $0x0;
	(pc) =	sbr.rel @p0 .LBB2_4-.Ltmp1, $4  }
0x39: {  	[sflag:s15] =	ssyncadd.s32 $0xFFFFF000  }
0x3a: {  	[spmem:s1] =	stream.indirect.scatter.add.f32 [tilespmem:s14], [sflag:$0x2], $0x20, s13, s13, $0xb8;
	[tilespmem:$0x19800] =	vst v63  }
0x3b: {  	_ =	swait.ge [sflag:s12], $0x1000  }
0x3c: {  	s19 =	smov.u32 s22;
	[sflag:s12] =	ssyncset.done $0x0  }
0x3d: {  	s19 =	sadd.s32 s18, s10;
	[sflag:s12] =	ssyncadd.s32 $0xFFFFF000  }
0x3e: {  	[tilespmem:s3], [sflag:$0x2] =	stream.linear.gather [hbm4b:s19+s3], $0x80, $0x38;
	[tilespmem:$0x19800] =	vst v63  }
0x3f: {  	_ =	swait.ge [sflag:s12], $0x80  }
0x40: {  	[sflag:s12] =	ssyncset.done $0x0  }
0x41: {  	s31 =	sadd.s32 s18, s11;
	[sflag:s12] =	ssyncadd.s32 $0xFFFFFF80  }
0x42: {  	[tilespmem:s13], [sflag:$0x2] =	stream.linear.gather [hbm4b:s31+s3], $0x80, $0x38;
	[tilespmem:$0x19800] =	vst v63  }
0x43: {  	_ =	swait.ge [sflag:s12], $0x80  }
0x44: {  	[sflag:s12] =	ssyncset.done $0x0  }
0x45: {  	[sflag:s12] =	ssyncadd.s32 $0xFFFFFF80  }
0x46: {  	[tilespmem:s14], [sflag:$0x1] =	stream.indirect.gather [hbm4b:s4+s13], $0x20, s3, s13, $0xb8;
	[tilespmem:$0x19800] =	vst v63  }
0x47: {  	_ =	swait.ge [sflag:s15], $0x1000  }
0x48: {  	[sflag:s15] =	ssyncset.done $0x0  }
0x49: {  	[sflag:s15] =	ssyncadd.s32 $0xFFFFF000  }
0x4a: {  	[spmem:s1] =	stream.indirect.scatter.add.f32 [tilespmem:s14], [sflag:$0x2], $0x20, s13, s13, $0xb8;
	[tilespmem:$0x19800] =	vst v63  }
0x4b: {  	_ =	swait.ge [sflag:s12], $0x1000  }
0x4c: {  	s17 =	sadd.s32 $0x1, s17;
	[sflag:s12] =	ssyncset.done $0x0  }
0x4d: {  	p0 =	sne.s32 s17, s7;
	[sflag:s12] =	ssyncadd.s32 $0xFFFFF000  }
.Ltmp2:
0x4e: {  	[bflag:$0x0] =	sbarrier.arrive $0xFFFF;
	(pc) =	sbr.rel @p0 .LBB2_1-.Ltmp2, $4  }
0x4f: {  	[hbm:s8], [sflag:s6] =	dma.local [spmem:s16], $0x30E0  }
0x50: {  	_ =	swait.ge [sflag:s12], $0x30E0  }
0x51: {  	[sflag:s12] =	ssyncset.done $0x0  }
0x52: {  	[sflag:s12] =	ssyncadd.s32 $0xFFFFCF20  }
0x53: {  	_ =	sfence.sel $0x180000  }
0x54: {  	[bflag:$0x0] =	sbarrier.arrive $0xFFFF  }
0x55: {  	p0 =	sne.s32 s2, $0x0;
	_ =	strace $0x9000004A  }
0x56: {  	s0 =	sadd.s32 @!p0 $0x100000, s0;
	[bflag:$0x2] =	sbarrier.arrive $0xFFFF  }
0x57: {  	[sflag:s0] =	ssyncadd.tile.s32 @!p0 $0x1;
	_ =	shalt  }
.Lfunc_end2:
_tile_overlayer_lowered:
.L_overlay_start_2:
0x58: {  	(tag) =	ssettag $0x2  }
0x59: {  	s0 =	rddreg [dreg:$0x0];
	s2 =	stileid.u32  }
0x5a: {  	s1 =	rddreg [dreg:$0x1];
	p0 =	sne.s32 s2, $0x0  }
0x5b: {  	s3 =	rddreg [dreg:$0x2];
	[bflag:$0x3] =	sbarrier.arrive $0xFFFF;
	s2 =	simm.s32 @!p0 $0x1C02  }
0x5c: {  	[timem:s3], [sflag:s2] =	dma.local @!p0 [hbm:s0], s1  }
0x5d: {  	s0 =	simm.s32 @!p0 $0x2  }
0x5e: {  	_ =	swait.ge @!p0 [sflag:s0], s1  }
0x5f: {  	s1 =	ssub.s32 @!p0 $0x0, s1;
	[sflag:s0] =	ssyncset.done @!p0 $0x0  }
0x60: {  	[sflag:s0] =	ssyncadd.s32 @!p0 s1  }
0x61: {  	[bflag:$0x3] =	sbarrier.arrive $0xFFFF  }
0x62: {  	_ =	shalt  }

// kernel: scatter_offload_async_start
scs
__scs_entry_jumppad:
0x0: {  	(pc) =	sbr.rel $0x88, $3  }
0x1: {  	(tag) =	ssettag $0x0;
	lr =	simm.s32 $0x1  }
0x2: {  	[smem:$0x3F97] =	sst lr;
	_ =	strace $0xD0000000  }
0x3: {  	_ = 	snop  }
0x4: {  	_ = 	snop  }
0x5: {  	_ = 	snop  }
0x6: {  	_ = 	snop  }
0x7: {  	_ = 	snop  }
__scs_overlays_trampoline_lowered:
0x8: {  	[smem:$0x3FA6] =	sst s0  }
0x9: {  	[smem:$0x3FA7] =	sst s1  }
0xa: {  	[smem:$0x3FA8] =	sst s2  }
0xb: {  	[smem:$0x3FA9] =	sst s3  }
0xc: {  	[smem:$0x3FAA] =	sst s4  }
0xd: {  	[smem:$0x3FAB] =	sst s5  }
0xe: {  	[smem:$0x3FAC] =	sst s6  }
0xf: {  	[smem:$0x3FAD] =	sst s7  }
0x10: {  	[smem:$0x3FAE] =	sst s8  }
0x11: {  	[smem:$0x3FAF] =	sst s9;
	s0 =	simm.s32 @!p0 $0x0  }
0x12: {  	s1 =	sld [smem:$0x3F95];
	s0 =	simm.s32 @p0 $0x1  }
0x13: {  	[smem:$0x3FB0] =	sst s0;
	s0 =	simm.s32 @!p1 $0x0  }
0x14: {  	s2 =	sld [smem:$0x3F94];
	s0 =	simm.s32 @p1 $0x1  }
0x15: {  	[smem:$0x3FB1] =	sst s0;
	s0 =	simm.s32 @!p2 $0x0  }
0x16: {  	s3 =	sld [smem:$0x3FDB];
	s0 =	simm.s32 @p2 $0x1  }
0x17: {  	s4 =	simm.s32 $0x1BF5;
	[smem:$0x3FB3] =	sst s0  }
0x18: {  	s0 =	sld [smem:$0x3F96];
	_ =	swait.ge [sflag:s4], $0x0  }
0x19: {  	s7 =	sld [smem:$0x3F97]  }
0x1a: {  	s8 =	sadd.s32 $0xFFFFE003, lr  }
0x1b: {  	s9 =	sadd.s32 $0xFFFFFEF7, lr;
	s5 =	simm.s32 $0xFFFFFFFF;
	p2 =	slt.u32 s8, $0xFFFFF086  }
0x1c: {  	p1 =	slt.u32 s9, $0xF7A;
	s5 =	simm.s32 @!p2 $0x0  }
0x1d: {  	s5 =	simm.s32 @p1 $0x1;
	p0 =	seq.s32 s7, s2  }
0x1e: {  	s7 =	smul.u32 @!p0 $0xF7A, s2;
	p2 =	seq.s32 @!p0 s5, $0x0  }
0x1f: {  	s9 =	smul.u32 $0xF7A, s1;
	s8 =	simm.s32 @!p0 $0x1BF5;
	p2 =	por !p2, p0  }
0x20: {  	[sflag:s8] =	ssyncset.s32 @!p0 $0xFFFFF086;
	s6 =	sadd.s32 @!p0 s3, s7;
	s7 =	simm.s32 @!p0 $0x108  }
0x21: {  	s3 =	sadd.s32 s3, s9;
	s6 =	sadd.s32 @!p0 $0x88, s6;
	s7 =	simm.s32 @p2 $0x1082  }
0x22: {  	[simem:s7], [sflag:s8] =	dma.local @!p0 [hbm:s6], $0xF7A  }
0x23: {  	s9 =	sor.u32 $0xD0000000, s2;
	s6 =	simm.s32 $0x108;
	_ =	swait.ge @!p0 [sflag:s8], $0x0  }
0x24: {  	s3 =	sadd.s32 $0x88, s3;
	s6 =	simm.s32 @!p1 $0x1082;
	[sflag:s4] =	ssyncset.s32 $0xFFFFF086  }
0x25: {  	[simem:s6], [sflag:s4] =	dma.local [hbm:s3], $0xF7A  }
0x26: {  	[smem:$0x3F97] =	sst s1;
	(tag) =	ssettag s2;
	_ =	strace s9  }
0x27: {  	s1 =	sld [smem:$0x3FA7]  }
0x28: {  	s2 =	sld [smem:$0x3FA8]  }
0x29: {  	s4 =	sld [smem:$0x3FAA]  }
0x2a: {  	p0 =	seq.s32 s5, $0x0;
	s5 =	sld [smem:$0x3FAB]  }
0x2b: {  	s6 =	sld [smem:$0x3FAC]  }
0x2c: {  	s7 =	sld [smem:$0x3FAD]  }
0x2d: {  	s3 =	simm.s32 $0x108;
	s8 =	sld [smem:$0x3FAE]  }
0x2e: {  	s3 =	simm.s32 @!p0 $0x1082;
	s9 =	sld [smem:$0x3FAF]  }
0x2f: {  	lr =	sadd.s32 s0, s3;
	s0 =	sld [smem:$0x3FA6]  }
0x30: {  	s3 =	sld [smem:$0x3FA9]  }
0x31: {  	[smem:$0x3FB2] =	sst s10  }
0x32: {  	s10 =	sld [smem:$0x3FB0];
	_ =	sdelay $0x3  }
0x33: {  	p0 =	seq.s32 s10, $0x1;
	s10 =	sld [smem:$0x3FB2];
	_ =	sdelay $0x3  }
0x34: {  	[smem:$0x3FB2] =	sst s10  }
0x35: {  	s10 =	sld [smem:$0x3FB1];
	_ =	sdelay $0x3  }
0x36: {  	p1 =	seq.s32 s10, $0x1;
	s10 =	sld [smem:$0x3FB2];
	_ =	sdelay $0x3  }
0x37: {  	[smem:$0x3FB2] =	sst s10  }
0x38: {  	s10 =	sld [smem:$0x3FB3]  }
0x39: {  	_ = 	snop;
	(pc) =	sbr.ind lr, $3  }
0x3a: {  	_ = 	snop  }
0x3b: {  	_ = 	snop  }
0x3c: {  	p2 =	seq.s32 s10, $0x1;
	s10 =	sld [smem:$0x3FB2]  }
0x3d: {  	_ =	shalt  }
0x3e: {  	_ =	shalt  }
0x3f: {  	_ =	shalt  }
0x40: {  	_ =	shalt  }
0x41: {  	_ =	shalt  }
0x42: {  	_ =	shalt  }
0x43: {  	_ =	shalt  }
0x44: {  	_ =	shalt  }
0x45: {  	_ =	shalt  }
0x46: {  	_ =	shalt  }
0x47: {  	_ =	shalt  }
0x48: {  	_ =	shalt  }
0x49: {  	_ =	shalt  }
0x4a: {  	_ =	shalt  }
0x4b: {  	_ =	shalt  }
0x4c: {  	_ =	shalt  }
0x4d: {  	_ =	shalt  }
0x4e: {  	_ =	shalt  }
0x4f: {  	_ =	shalt  }
0x50: {  	_ =	shalt  }
0x51: {  	_ =	shalt  }
0x52: {  	_ =	shalt  }
0x53: {  	_ =	shalt  }
0x54: {  	_ =	shalt  }
0x55: {  	_ =	shalt  }
0x56: {  	_ =	shalt  }
0x57: {  	_ =	shalt  }
0x58: {  	_ =	shalt  }
0x59: {  	_ =	shalt  }
0x5a: {  	_ =	shalt  }
0x5b: {  	_ =	shalt  }
0x5c: {  	_ =	shalt  }
0x5d: {  	_ =	shalt  }
0x5e: {  	_ =	shalt  }
0x5f: {  	_ =	shalt  }
0x60: {  	_ =	shalt  }
0x61: {  	_ =	shalt  }
0x62: {  	_ =	shalt  }
0x63: {  	_ =	shalt  }
0x64: {  	_ =	shalt  }
0x65: {  	_ =	shalt  }
0x66: {  	_ =	shalt  }
0x67: {  	_ =	shalt  }
0x68: {  	_ =	shalt  }
0x69: {  	_ =	shalt  }
0x6a: {  	_ =	shalt  }
0x6b: {  	_ =	shalt  }
0x6c: {  	_ =	shalt  }
0x6d: {  	_ =	shalt  }
0x6e: {  	_ =	shalt  }
0x6f: {  	_ =	shalt  }
0x70: {  	_ =	shalt  }
0x71: {  	_ =	shalt  }
0x72: {  	_ =	shalt  }
0x73: {  	_ =	shalt  }
0x74: {  	_ =	shalt  }
0x75: {  	_ =	shalt  }
0x76: {  	_ =	shalt  }
0x77: {  	_ =	shalt  }
0x78: {  	_ =	shalt  }
0x79: {  	_ =	shalt  }
0x7a: {  	_ =	shalt  }
0x7b: {  	_ =	shalt  }
0x7c: {  	_ =	shalt  }
0x7d: {  	_ =	shalt  }
0x7e: {  	_ =	shalt  }
0x7f: {  	_ =	shalt  }
0x80: {  	_ =	shalt  }
0x81: {  	_ =	shalt  }
0x82: {  	_ =	shalt  }
0x83: {  	_ =	shalt  }
0x84: {  	_ =	shalt  }
0x85: {  	_ =	shalt  }
0x86: {  	_ =	shalt  }
0x87: {  	_ =	shalt  }
.Lfunc_end0:
.L_simem_size_0:
called_computation_lowered:
.L_overlay_start_0:
0x88: {  	s2 =	sld [smem:$0x3FD9]  }
0x89: {  	s3 =	sld [smem:$0x3FFE];
	_ =	sdelay $0x1  }
0x8a: {  	s1 =	srdreg.scid  }
0x8b: {  	s0 =	sand.u32 $0x1, s1  }
0x8c: {  	s16 =	sshll.u32 s0, $0xA;
	s2 =	sadd.s32 s3, s2  }
0x8d: {  	s2 =	sadd.s32 s2, s16  }
0x8e: {  	[smem:$0x3FBE] =	sst s2  }
0x8f: {  	_ = 	snop  }
0x90: {  	s2 =	sld [smem:$0x3FD0];
	(tm) =	ssettm $0x1  }
0x91: {  	s17 =	sld [smem:$0x3FFB];
	_ =	sdelay $0x3  }
0x92: {  	_ =	strace s17  }
0x93: {  	s3 =	sld [smem:$0x3FFC];
	_ =	sdelay $0x3  }
0x94: {  	_ =	strace s3  }
0x95: {  	s3 =	sld [smem:$0x3FFD];
	_ =	sdelay $0x3  }
0x96: {  	_ =	strace s3  }
0x97: {  	_ =	strace $0x8FFFFFFF  }
0x98: {  	s18 =	sld [smem:$0x3FDB];
	_ =	sdelay $0x1  }
0x99: {  	s4 =	simm.s32 $_scs_section_size  }
0x9a: {  	s5 =	simm.s32 $_size__tile_overlayer_lowered;
	s6 =	simm.s32 $_tile_overlayer_lowered  }
0x9b: {  	s21 =	simm.s32 $0x1BFF;
	s20 =	sshll.u32 s6, $0x1;
	s3 =	sadd.s32 s4, s18  }
0x9c: {  	s7 =	simm.s32 $0x0;
	s19 =	sshll.u32 s5, $0x1;
	s5 =	sadd.s32 s20, s3  }
0x9d: {  	[timem:s7], [sflag:s21] =	dma.local [hbm:s5], s19  }
0x9e: {  	_ =	swait.ge [sflag:s21], s19  }
0x9f: {  	s4 =	ssub.s32 $0x0, s19;
	[sflag:s21] =	ssyncset.done $0x0  }
0xa0: {  	[sflag:s21] =	ssyncadd.s32 s4;
	_ =	sdelay $0x1  }
0xa1: {  	s22 =	simm.s32 $0x1B8B  }
0xa2: {  	_ =	swait.ge [sflag:s22], $0x1  }
0xa3: {  	[sflag:s22] =	ssyncset.done $0x0  }
0xa4: {  	s23 =	sld [smem:$0x3FFE];
	[sflag:s22] =	ssyncadd.s32 $0xFFFFFFFF  }
0xa5: {  	s25 =	simm.s32 $0x1B8E;
	s24 =	sld [smem:$0x0]  }
0xa6: {  	s26 =	simm.s32 $execute0_lowered;
	[smem:$0x3FD2] =	sst s25  }
0xa7: {  	s6 =	sshll.u32 s26, $0x1;
	_ =	strace $0x8000004C;
	[dreg:$0x1] =	wrdreg $0xFFFFFFFF  }
0xa8: {  	s28 =	simm.s32 $_size_execute0_lowered;
	s3 =	sadd.s32 s3, s6;
	[dreg:$0x0] =	wrdreg $0x0  }
0xa9: {  	s6 =	sshll.u32 s28, $0x1;
	[dreg:$0x2] =	wrdreg s3  }
0xaa: {  	[dreg:$0x3] =	wrdreg s6  }
0xab: {  	[dreg:$0x4] =	wrdreg $0xC0  }
0xac: {  	_ =	task [dreg:s7], $0x5FFFF  }
0xad: {  	[dreg:$0x1] =	wrdreg $0xFFFFFFFF  }
0xae: {  	[dreg:$0x0] =	wrdreg $0x60  }
0xaf: {  	[dreg:$0x2] =	wrdreg s23  }
0xb0: {  	[dreg:$0x3] =	wrdreg s2  }
0xb1: {  	[dreg:$0x4] =	wrdreg s1  }
0xb2: {  	[dreg:$0x5] =	wrdreg s24  }
0xb3: {  	[dreg:$0x6] =	wrdreg $0x9  }
0xb4: {  	_ =	task.clear_ibuf [dreg:s7], $0x7FFFF;
	_ =	strace $0x9000004C  }
0xb5: {  	s29 =	simm.s32 $0x9;
	_ =	strace $0x8000004E  }
0xb6: {  	_ =	swait.ge [sflag:s29], $0x1  }
0xb7: {  	[sflag:s29] =	ssyncadd.s32 $0xFFFFFFFF  }
0xb8: {  	_ =	strace $0x9000004E  }
0xb9: {  	_ =	sfence  }
0xba: {  	s30 =	sld [smem:$0x0];
	_ =	sdelay $0x2  }
0xbb: {  	s31 =	sshll.u32 s1, $0xD;
	s1 =	sshrl.u32 s1, $0x2  }
0xbc: {  	s3 =	sand.u32 $0x4000, s31;
	s1 =	sadd.s32 s1, s30  }
0xbd: {  	s0 =	sor.u32 s3, s0;
	s1 =	sshll.u32 s1, $0x11  }
0xbe: {  	s0 =	sor.u32 s1, s0  }
0xbf: {  	s0 =	sadd.s32 $0x8F2B, s0  }
0xc0: {  	[sflag:s0] =	ssyncadd.remote.s32 $0x1  }
0xc1: {  	_ =	sfence.sel $0xFFFF  }
0xc2: {  	[dreg:$0x0] =	wrdreg $0xFFFFFFFF;
	(pc) =	sbr.abs _section_cstart, $3  }
0xc3: {  	[dreg:$0x1] =	wrdreg $0xFFFFFFFF  }
0xc4: {  	_ =	task.clear_ibuf [dreg:s7], $0x2FFFF;
	_ =	strace $0x9FFFFFFF  }
0xc5: {  	(tm) =	ssettm $0x7FFFFFFF  }
tec
execute0_lowered:
.L_overlay_start_1:
0x0: {  	(tag) =	ssettag $0x1  }
0x1: {  	s2 =	rddreg [dreg:$0x0]  }
0x2: {  	s0 =	rddreg [dreg:$0x1]  }
0x3: {  	s4 =	rddreg [dreg:$0x2];
	_ =	strace $0x8000004D;
	s1 =	simm.s32 $0x1  }
0x4: {  	s3 =	simm.s32 $0x88;
	v0 =	vimm.s32 $0x0;
	[sflag:s1] =	ssyncpa.u1 $0x0  }
0x5: {  	[tilespmem:s3+$0x30] =	vst v0  }
0x6: {  	s1 =	sadd.s32 $0x364600, s2;
	s6 =	sadd.s32 $0x4EB400, s2;
	[tilespmem:s3+$0x20] =	vst v0  }
0x7: {  	s2 =	sadd.s32 $0x288600, s2;
	s7 =	sand.u32 $0x1, s4;
	s4 =	simm.s32 $0x40;
	[tilespmem:s3+$0x10] =	vst v0  }
.LBB2_1:
0x8: {  	s4 =	sadd.s32 $0x40, s4  }
0x9: {  	[tilespmem:s3+$0x0] =	vst v0;
	s3 =	sadd.s32 $0x40, s3;
	p0 =	slt.u32 s4, $0x5040  }
.Ltmp0:
0xa: {  	(pc) =	sbr.rel @p0 .LBB2_1-.Ltmp0, $4  }
0xb: {  	_ = 	snop  }
0xc: {  	[tilespmem:s3+$0x30] =	vst v0  }
0xd: {  	[tilespmem:s3+$0x20] =	vst v0  }
0xe: {  	[tilespmem:s3+$0x10] =	vst v0  }
0xf: {  	s8 =	stileid.u32  }
0x10: {  	s4 =	smul.u32 $0x4E, s8  }
0x11: {  	s5 =	smin.u32 s8, $0x2  }
0x12: {  	s4 =	sadd.s32 s5, s4  }
0x13: {  	p0 =	slt.u32 s8, $0x2;
	s12 =	smul.u32 $0x140, s4;
	s4 =	simm.s32 $0x62C0  }
0x14: {  	s4 =	simm.s32 @!p0 $0x6180  }
0x15: {  	s25 =	simm.s32 $0x2;
	s4 =	sadd.s32 s4, s12  }
0x16: {  	s28 =	simm.s32 $0x9;
	s9 =	simm.s32 $0xA;
	s14 =	smin.u32 s4, $0x61A80  }
0x17: {  	s30 =	simm.s32 $0xB;
	[dreg:$0x5] =	wrdreg s7;
	s4 =	ssub.s32 s14, s12  }
0x18: {  	s31 =	smul.u32 $0xC350, s7;
	s13 =	simm.s32 $0x1;
	p0 =	sgt.s32 s4, $0x0  }
0x19: {  	s19 =	simm.s32 $0x0;
	s20 =	simm.s32 $0xA808;
	s4 =	simm.s32 @!p0 $0x0  }
0x1a: {  	s21 =	simm.s32 $0xFFFFFFFF;
	p1 =	por $0x0, $0x0;
	s26 =	smulhi.u32 $0x66666667, s4  }
0x1b: {  	[tilespmem:s3+$0x0] =	vst v0;
	s23 =	simm.s32 $0x0;
	[sflag:s25] =	ssyncpa.u1 $0x0;
	s18 =	sshll.u32 s8, $0x7  }
0x1c: {  	s0 =	sadd.s32 s31, s0;
	[dreg:$0xb] =	wrdreg s18;
	s3 =	sshrl.u32 s26, $0x7  }
0x1d: {  	v0 =	vimm.s32 $0xFFFFFFFF;
	s17 =	sadd.s32 s31, s2;
	[dreg:$0xa] =	wrdreg s0;
	s29 =	smul.u32 $0x140, s3  }
0x1e: {  	s25 =	simm.s32 $0x0;
	[tilespmem:$0xA108] =	vst v0;
	[sflag:s28] =	ssyncpa.u1 $0x0;
	[dreg:$0x9] =	wrdreg s17  }
.Ltmp1:
0x1f: {  	p0 =	sne.s32 s4, s29;
	s4 =	simm.s32 $0x1;
	(pc) =	sbr.rel .LBB2_3-.Ltmp1, $4  }
0x20: {  	[sflag:s9] =	ssyncpa.u1 $0x0;
	[dreg:$0x6] =	wrdreg s12;
	s4 =	simm.s32 @!p0 $0x0  }
0x21: {  	[sflag:s30] =	ssyncpa.u1 $0x0;
	[dreg:$0x7] =	wrdreg s14;
	s15 =	sadd.s32 s4, s3  }
0x22: {  	s24 =	smov.u32 s12;
	s22 =	sadd.s32 $0x1, s15;
	[dreg:$0x8] =	wrdreg s15  }
0x23: {  	v0 =	vlaneseq.u32;
	s26 =	simm.s32 $0x0;
	p0 =	por $0x1, $0x1;
	[dreg:$0xc] =	wrdreg s22  }
.LBB2_22:
0x24: {  	s0 =	sshrl.u32 s2, $0x2  }
.LBB2_24:
0x25: {  	s2 =	simm.s32 $0xC  }
0x26: {  	_ =	swait.ge [sflag:s2], s0  }
0x27: {  	s31 =	ssub.s32 $0x0, s0;
	v1 =	vmov s4;
	vm0 =	veq.s32 v0, $0x0;
	[sflag:s2] =	ssyncset.done $0x0  }
0x28: {  	vm15 =	veq.s32 v0, $0x2;
	v1 =	vsel vm0, s5, v1;
	[sflag:s2] =	ssyncadd.s32 s31  }
0x29: {  	v1 =	vsel vm15, s26, v1;
	[sflag:s2] =	ssyncpa.u1 $0x1  }
0x2a: {  	[tilespmem:$0xA108] =	vst v1  }
.LBB2_25:
0x2b: {  	s0 =	sadd.s32 $0x140, s24  }
0x2c: {  	s2 =	smov.u32 s12;
	p2 =	slt.s32 s0, s14  }
0x2d: {  	s2 =	smov.u32 @p2 s0;
	p2 =	sne.s32 s25, s22  }
.Ltmp2:
0x2e: {  	_ = 	snop;
	(pc) =	sbr.rel @!p2 .LBB2_26-.Ltmp2, $4  }
0x2f: {  	_ = 	snop  }
0x30: {  	s26 =	smov.u32 s23;
	s31 =	sadd.s32 $0x1, s25;
	p0 =	por !p0, !p0  }
0x31: {  	s23 =	smov.u32 s24;
	s20 =	sadd.s32 $0x140, s20;
	s21 =	sadd.s32 $0x1, s21  }
0x32: {  	p1 =	por !p1, !p1;
	s25 =	smov.u32 s31;
	s24 =	smov.u32 s2  }
.LBB2_3:
0x33: {  	p2 =	sge.u32 s25, s15  }
0x34: {  	s0 =	smulhi.u32 @!p2 $0xAAAAAAAB, s25  }
0x35: {  	s2 =	smov.u32 s24;
	p3 =	sgt.s32 @!p2 s24, $0x61940  }
0x36: {  	s3 =	sshra.s32 @!p2 s24, $0x1F;
	p3 =	por !p3, p2;
	s0 =	sshrl.u32 @!p2 s0, $0x1  }
0x37: {  	s3 =	sand.u32 @!p2 s3, s24;
	s2 =	simm.s32 @p3 $0x61940;
	s0 =	smul.u32 @!p2 $0x3, s0  }
0x38: {  	s2 =	ssub.s32 @!p2 s2, s3  }
0x39: {  	s2 =	sadd.s32 @!p2 $0xFFF9E6C0, s2;
	s0 =	ssub.s32 @!p2 s25, s0  }
0x3a: {  	s3 =	sshll.u32 @!p2 s2, $0x2;
	p3 =	sgt.s32 @!p2 s2, $0x13F;
	s0 =	smul.u32 @!p2 $0x500, s0  }
0x3b: {  	s4 =	sand.u32 @!p2 $0x7, s24;
	s2 =	ssub.s32 @!p2 $0x500, s3;
	p3 =	por !p3, p2  }
0x3c: {  	s3 =	sshrl.u32 @!p2 s24, $0x3;
	s2 =	sshrl.u32 @!p2 s2, $0x2;
	s0 =	sshrl.u32 @!p2 s0, $0x2  }
0x3d: {  	s3 =	sadd.s32 @!p2 s3, s17;
	s2 =	simm.s32 @!p3 $0x0;
	s0 =	sadd.s32 @!p2 $0xA948, s0  }
0x3e: {  	[tilespmem:s0], [sflag:$0xA] =	stream.linear.gather @!p2 [hbm4b:s3+s4], s2, $0x38;
	[tilespmem:$0x1EF88] =	vst v63  }
0x3f: {  	s0 =	sadd.s32 $0xFFFFFFFF, s25  }
0x40: {  	p2 =	sge.u32 s0, s15  }
.Ltmp3:
0x41: {  	_ = 	snop;
	(pc) =	sbr.rel @p2 .LBB2_7-.Ltmp3, $1  }
0x42: {  	_ =	sdelay $0x3  }
0x43: {  	p2 =	sgt.s32 s23, $0x61940;
	s2 =	smov.u32 s23;
	s3 =	sshra.s32 s23, $0x1F  }
0x44: {  	s2 =	simm.s32 @!p2 $0x61940;
	s3 =	sand.u32 s3, s23  }
0x45: {  	s2 =	ssub.s32 s2, s3  }
0x46: {  	s17 =	smulhi.u32 $0xAAAAAAAB, s21;
	s0 =	sand.u32 $0x1, s0;
	s2 =	sadd.s32 $0xFFF9E6C0, s2  }
0x47: {  	s5 =	simm.s32 $0xA;
	s22 =	sshrl.u32 s23, $0x3;
	s4 =	sshll.u32 s2, $0x2  }
0x48: {  	s0 =	smul.u32 $0x500, s0;
	s3 =	sshrl.u32 s17, $0x1;
	s4 =	ssub.s32 $0x500, s4  }
0x49: {  	s3 =	smul.u32 $0xFFFFF100, s3;
	p2 =	sgt.s32 s2, $0x13F;
	s2 =	sshrl.u32 s4, $0x2  }
0x4a: {  	s7 =	sand.u32 $0x7, s23;
	s0 =	sshrl.u32 s0, $0x2;
	s2 =	simm.s32 @p2 $0x0  }
0x4b: {  	s0 =	sadd.s32 $0xAD08, s0;
	s3 =	sshra.s32 s3, $0x2;
	_ =	swait.ge [sflag:s5], s2  }
0x4c: {  	s18 =	ssub.s32 $0x0, s2;
	[sflag:s5] =	ssyncset.done $0x0;
	s31 =	rddreg [dreg:$0xa]  }
0x4d: {  	s4 =	sadd.s32 s3, s20;
	[sflag:s5] =	ssyncadd.s32 s18;
	s3 =	sadd.s32 s22, s31  }
0x4e: {  	[tilespmem:s0], [sflag:$0xB] =	stream.linear.gather [hbm4b:s3+s7], s2, $0x38;
	[tilespmem:$0x1EF88] =	vst v63  }
0x4f: {  	v1 =	vld.msk [tilespmem:s4+$0x0], $0xffff;
	_ =	sdelay $0x4  }
0x50: {  	v1 =	vshll.u32 v1, $0x4  }
0x51: {  	(v2sf) =	vpush v1, $0x0;
	_ =	sdelay $0x1  }
0x52: {  	(v2sf) =	vpush v1, $0x1  }
0x53: {  	(v2sf) =	vpush v1, $0x2;
	_ =	sdelay $0x1  }
0x54: {  	(v2sf) =	vpush v1, $0x3  }
0x55: {  	(v2sf) =	vpush v1, $0x4;
	_ =	sdelay $0x1  }
0x56: {  	(v2sf) =	vpush v1, $0x5  }
0x57: {  	s0 =	simm.s32 $0x1  }
0x58: {  	s0 =	simm.s32 @!p0 $0x0  }
0x59: {  	s0 =	smul.u32 $0x28000, s0  }
0x5a: {  	(v2sf) =	vpush v1, $0x6  }
0x5b: {  	s0 =	sshrl.u32 s0, $0x2  }
0x5c: {  	s28 =	sadd.s32 $0xB708, s0  }
0x5d: {  	s10 =	sadd.s32 $0xFFFFF880, s28;
	s15 =	sadd.s32 $0xFFFFF900, s28;
	s8 =	spop (v2sf)  }
0x5e: {  	s16 =	sadd.s32 $0xFFFFF980, s28;
	s31 =	sadd.s32 $0xFFFFFA00, s28;
	(v2sf) =	vpush v1, $0x7;
	s9 =	sand.u32 $0x1FFFFFF0, s8  }
0x5f: {  	s3 =	sadd.s32 $0xFFFFFA80, s28;
	s11 =	spop (v2sf);
	s0 =	sadd.s32 s6, s9  }
0x60: {  	(v2sf) =	vpush v1, $0x8;
	s12 =	sand.u32 $0x1FFFFFF0, s11;
	s14 =	spop (v2sf);
	s9 =	sadd.s32 $0xFFFFFB00, s28  }
0x61: {  	(v2sf) =	vpush v1, $0x9;
	[tilespmem:s10], [sflag:$0x9] =	stream.linear.gather [hbm4b:s0+s19], $0x40, $0x38;
	[tilespmem:$0x1EF88] =	vst v63  }
0x62: {  	s0 =	sadd.s32 s6, s12;
	s2 =	sand.u32 $0x1FFFFFF0, s14;
	s17 =	spop (v2sf)  }
0x63: {  	(v2sf) =	vpush v1, $0xA;
	s10 =	sadd.s32 $0xFFFFFB80, s28;
	s18 =	sand.u32 $0x1FFFFFF0, s17;
	s22 =	spop (v2sf)  }
0x64: {  	[tilespmem:s15], [sflag:$0x9] =	stream.linear.gather [hbm4b:s0+s19], $0x40, $0x38;
	[tilespmem:$0x1EF88] =	vst v63  }
0x65: {  	s2 =	sadd.s32 s6, s2;
	(v2sf) =	vpush v1, $0xB;
	s0 =	sadd.s32 s6, s18;
	s5 =	spop (v2sf)  }
0x66: {  	[tilespmem:s16], [sflag:$0x9] =	stream.linear.gather [hbm4b:s2+s19], $0x40, $0x38;
	[tilespmem:$0x1EF88] =	vst v63  }
0x67: {  	(v2sf) =	vpush v1, $0xC;
	s15 =	sadd.s32 $0xFFFFFC00, s28;
	s7 =	sand.u32 $0x1FFFFFF0, s5;
	s2 =	sand.u32 $0x1FFFFFF0, s22  }
0x68: {  	[tilespmem:s31], [sflag:$0x9] =	stream.linear.gather [hbm4b:s0+s19], $0x40, $0x38;
	[tilespmem:$0x1EF88] =	vst v63  }
0x69: {  	s8 =	spop (v2sf);
	(v2sf) =	vpush v1, $0xD;
	s5 =	sadd.s32 $0xFFFFFD80, s28;
	s2 =	sadd.s32 s6, s2  }
0x6a: {  	[tilespmem:s3], [sflag:$0x9] =	stream.linear.gather [hbm4b:s2+s19], $0x40, $0x38;
	[tilespmem:$0x1EF88] =	vst v63  }
0x6b: {  	s16 =	sadd.s32 $0xFFFFFC80, s28;
	s0 =	sadd.s32 s6, s7;
	s2 =	sand.u32 $0x1FFFFFF0, s8  }
0x6c: {  	[tilespmem:s9], [sflag:$0x9] =	stream.linear.gather [hbm4b:s0+s19], $0x40, $0x38;
	[tilespmem:$0x1EF88] =	vst v63  }
0x6d: {  	s31 =	sadd.s32 $0xFFFFFD00, s28;
	s2 =	sadd.s32 s6, s2;
	s11 =	spop (v2sf);
	(v2sf) =	vpush v1, $0xE  }
0x6e: {  	[tilespmem:s10], [sflag:$0x9] =	stream.linear.gather [hbm4b:s2+s19], $0x40, $0x38;
	[tilespmem:$0x1EF88] =	vst v63  }
0x6f: {  	s10 =	sadd.s32 $0xFFFFFE00, s28;
	s12 =	sand.u32 $0x1FFFFFF0, s11;
	s14 =	spop (v2sf);
	(v2sf) =	vpush v1, $0xF  }
0x70: {  	s0 =	sadd.s32 s6, s12;
	s2 =	sand.u32 $0x1FFFFFF0, s14;
	s17 =	spop (v2sf)  }
0x71: {  	[tilespmem:s15], [sflag:$0x9] =	stream.linear.gather [hbm4b:s0+s19], $0x40, $0x38;
	[tilespmem:$0x1EF88] =	vst v63  }
0x72: {  	s2 =	sadd.s32 s6, s2;
	s18 =	sand.u32 $0x1FFFFFF0, s17;
	s22 =	spop (v2sf)  }
0x73: {  	[tilespmem:s16], [sflag:$0x9] =	stream.linear.gather [hbm4b:s2+s19], $0x40, $0x38;
	[tilespmem:$0x1EF88] =	vst v63  }
0x74: {  	s0 =	sadd.s32 s6, s18;
	s7 =	spop (v2sf);
	s2 =	sand.u32 $0x1FFFFFF0, s22  }
0x75: {  	[tilespmem:s31], [sflag:$0x9] =	stream.linear.gather [hbm4b:s0+s19], $0x40, $0x38;
	[tilespmem:$0x1EF88] =	vst v63  }
0x76: {  	s8 =	sand.u32 $0x1FFFFFF0, s7;
	s9 =	spop (v2sf);
	s2 =	sadd.s32 s6, s2  }
0x77: {  	[tilespmem:s5], [sflag:$0x9] =	stream.linear.gather [hbm4b:s2+s19], $0x40, $0x38;
	[tilespmem:$0x1EF88] =	vst v63  }
0x78: {  	s12 =	spop (v2sf);
	s0 =	sadd.s32 s6, s8;
	s2 =	sand.u32 $0x1FFFFFF0, s9  }
0x79: {  	[tilespmem:s10], [sflag:$0x9] =	stream.linear.gather [hbm4b:s0+s19], $0x40, $0x38;
	[tilespmem:$0x1EF88] =	vst v63  }
0x7a: {  	s11 =	sadd.s32 $0xFFFFFE80, s28;
	s14 =	sand.u32 $0x1FFFFFF0, s12;
	s2 =	sadd.s32 s6, s2  }
0x7b: {  	[tilespmem:s11], [sflag:$0x9] =	stream.linear.gather [hbm4b:s2+s19], $0x40, $0x38;
	[tilespmem:$0x1EF88] =	vst v63  }
0x7c: {  	s16 =	sadd.s32 $0xFFFFFF00, s28;
	s0 =	sadd.s32 s6, s14;
	s15 =	spop (v2sf)  }
0x7d: {  	[tilespmem:s16], [sflag:$0x9] =	stream.linear.gather [hbm4b:s0+s19], $0x40, $0x38;
	[tilespmem:$0x1EF88] =	vst v63  }
0x7e: {  	s30 =	sadd.s32 $0x10, s4;
	s2 =	sand.u32 $0x1FFFFFF0, s15;
	s17 =	spop (v2sf)  }
0x7f: {  	s22 =	sadd.s32 $0xFFFFFF80, s28;
	s18 =	sadd.s32 s6, s2;
	s31 =	sand.u32 $0x1FFFFFF0, s17  }
0x80: {  	[tilespmem:s22], [sflag:$0x9] =	stream.linear.gather [hbm4b:s18+s19], $0x40, $0x38;
	[tilespmem:$0x1EF88] =	vst v63  }
0x81: {  	s29 =	sadd.s32 $0x800, s28;
	s0 =	simm.s32 $0x0;
	s2 =	sadd.s32 s6, s31  }
.LBB2_5:
0x82: {  	[tilespmem:s28], [sflag:$0x9] =	stream.linear.gather [hbm4b:s2+s19], $0x40, $0x38;
	[tilespmem:$0x1EF88] =	vst v63  }
0x83: {  	s0 =	sadd.s32 $0x10, s0;
	s28 =	smov.u32 s29  }
0x84: {  	p2 =	slt.u32 s0, $0x130;
	v1 =	vld.msk [tilespmem:s30+$0x0], $0xffff;
	_ =	sdelay $0x4  }
0x85: {  	v1 =	vshll.u32 v1, $0x4  }
0x86: {  	(v2sf) =	vpush v1, $0x0  }
0x87: {  	(v2sf) =	vpush v1, $0x1  }
0x88: {  	(v2sf) =	vpush v1, $0x2;
	_ =	sdelay $0x1  }
0x89: {  	(v2sf) =	vpush v1, $0x3;
	_ =	sdelay $0x1  }
0x8a: {  	(v2sf) =	vpush v1, $0x4;
	_ =	sdelay $0x1  }
0x8b: {  	(v2sf) =	vpush v1, $0x5;
	_ =	sdelay $0x1  }
0x8c: {  	(v2sf) =	vpush v1, $0x6  }
0x8d: {  	s31 =	sadd.s32 $0xFFFFFE80, s29;
	s4 =	sadd.s32 $0xFFFFFF00, s29  }
0x8e: {  	s3 =	sadd.s32 $0xFFFFFD00, s29;
	s2 =	sadd.s32 $0xFFFFFD80, s29;
	s5 =	sadd.s32 $0xFFFFFE00, s29;
	(v2sf) =	vpush v1, $0x7  }
0x8f: {  	s10 =	sadd.s32 $0xFFFFFB80, s29;
	s9 =	sadd.s32 $0xFFFFFC00, s29;
	s16 =	sadd.s32 $0xFFFFFC80, s29  }
0x90: {  	s11 =	sadd.s32 $0xFFFFFA00, s29;
	s12 =	sadd.s32 $0xFFFFFA80, s29;
	s15 =	sadd.s32 $0xFFFFFB00, s29;
	(v2sf) =	vpush v1, $0x8  }
0x91: {  	s18 =	sadd.s32 $0xFFFFF900, s29;
	s7 =	sadd.s32 $0xFFFFF980, s29;
	s22 =	spop (v2sf)  }
0x92: {  	s8 =	sadd.s32 $0xFFFFF880, s29;
	s22 =	sand.u32 $0x1FFFFFF0, s22;
	s14 =	spop (v2sf);
	(v2sf) =	vpush v1, $0x9  }
0x93: {  	s22 =	sadd.s32 s6, s22;
	s14 =	sand.u32 $0x1FFFFFF0, s14;
	s17 =	spop (v2sf)  }
0x94: {  	[tilespmem:s8], [sflag:$0x9] =	stream.linear.gather [hbm4b:s22+s19], $0x40, $0x38;
	(v2sf) =	vpush v1, $0xA;
	[tilespmem:$0x1EF88] =	vst v63  }
0x95: {  	s8 =	sadd.s32 s6, s14;
	s14 =	sand.u32 $0x1FFFFFF0, s17;
	s17 =	spop (v2sf)  }
0x96: {  	[tilespmem:s18], [sflag:$0x9] =	stream.linear.gather [hbm4b:s8+s19], $0x40, $0x38;
	(v2sf) =	vpush v1, $0xB;
	[tilespmem:$0x1EF88] =	vst v63  }
0x97: {  	s8 =	sadd.s32 s6, s14;
	s14 =	sand.u32 $0x1FFFFFF0, s17;
	s17 =	spop (v2sf)  }
0x98: {  	[tilespmem:s7], [sflag:$0x9] =	stream.linear.gather [hbm4b:s8+s19], $0x40, $0x38;
	(v2sf) =	vpush v1, $0xC;
	[tilespmem:$0x1EF88] =	vst v63  }
0x99: {  	s7 =	sadd.s32 s6, s14;
	s8 =	sand.u32 $0x1FFFFFF0, s17;
	s14 =	spop (v2sf)  }
0x9a: {  	[tilespmem:s11], [sflag:$0x9] =	stream.linear.gather [hbm4b:s7+s19], $0x40, $0x38;
	(v2sf) =	vpush v1, $0xD;
	[tilespmem:$0x1EF88] =	vst v63  }
0x9b: {  	s7 =	sadd.s32 s6, s8;
	s8 =	sand.u32 $0x1FFFFFF0, s14;
	s11 =	spop (v2sf)  }
0x9c: {  	[tilespmem:s12], [sflag:$0x9] =	stream.linear.gather [hbm4b:s7+s19], $0x40, $0x38;
	(v2sf) =	vpush v1, $0xE;
	[tilespmem:$0x1EF88] =	vst v63  }
0x9d: {  	s7 =	sadd.s32 s6, s8;
	s8 =	sand.u32 $0x1FFFFFF0, s11;
	s11 =	spop (v2sf)  }
0x9e: {  	[tilespmem:s15], [sflag:$0x9] =	stream.linear.gather [hbm4b:s7+s19], $0x40, $0x38;
	(v2sf) =	vpush v1, $0xF;
	[tilespmem:$0x1EF88] =	vst v63  }
0x9f: {  	s7 =	sadd.s32 s6, s8;
	s8 =	sand.u32 $0x1FFFFFF0, s11;
	s11 =	spop (v2sf)  }
0xa0: {  	[tilespmem:s10], [sflag:$0x9] =	stream.linear.gather [hbm4b:s7+s19], $0x40, $0x38;
	[tilespmem:$0x1EF88] =	vst v63  }
0xa1: {  	s7 =	sadd.s32 s6, s8;
	s8 =	sand.u32 $0x1FFFFFF0, s11;
	s10 =	spop (v2sf)  }
0xa2: {  	[tilespmem:s9], [sflag:$0x9] =	stream.linear.gather [hbm4b:s7+s19], $0x40, $0x38;
	[tilespmem:$0x1EF88] =	vst v63  }
0xa3: {  	s7 =	sadd.s32 s6, s8;
	s8 =	sand.u32 $0x1FFFFFF0, s10;
	s9 =	spop (v2sf)  }
0xa4: {  	[tilespmem:s16], [sflag:$0x9] =	stream.linear.gather [hbm4b:s7+s19], $0x40, $0x38;
	[tilespmem:$0x1EF88] =	vst v63  }
0xa5: {  	s7 =	sadd.s32 s6, s8;
	s8 =	sand.u32 $0x1FFFFFF0, s9;
	s9 =	spop (v2sf)  }
0xa6: {  	[tilespmem:s3], [sflag:$0x9] =	stream.linear.gather [hbm4b:s7+s19], $0x40, $0x38;
	[tilespmem:$0x1EF88] =	vst v63  }
0xa7: {  	s3 =	sadd.s32 s6, s8;
	s7 =	sand.u32 $0x1FFFFFF0, s9;
	s8 =	spop (v2sf)  }
0xa8: {  	[tilespmem:s2], [sflag:$0x9] =	stream.linear.gather [hbm4b:s3+s19], $0x40, $0x38;
	[tilespmem:$0x1EF88] =	vst v63  }
0xa9: {  	s2 =	sadd.s32 s6, s7;
	s3 =	sand.u32 $0x1FFFFFF0, s8;
	s7 =	spop (v2sf)  }
0xaa: {  	[tilespmem:s5], [sflag:$0x9] =	stream.linear.gather [hbm4b:s2+s19], $0x40, $0x38;
	[tilespmem:$0x1EF88] =	vst v63  }
0xab: {  	s2 =	sadd.s32 s6, s3;
	s3 =	sand.u32 $0x1FFFFFF0, s7;
	s5 =	spop (v2sf)  }
0xac: {  	[tilespmem:s31], [sflag:$0x9] =	stream.linear.gather [hbm4b:s2+s19], $0x40, $0x38;
	[tilespmem:$0x1EF88] =	vst v63  }
0xad: {  	s2 =	sadd.s32 s6, s3  }
.Ltmp4:
0xae: {  	s3 =	sand.u32 $0x1FFFFFF0, s5;
	s5 =	spop (v2sf);
	(pc) =	sbr.rel @p2 .LBB2_5-.Ltmp4, $4  }
0xaf: {  	[tilespmem:s4], [sflag:$0x9] =	stream.linear.gather [hbm4b:s2+s19], $0x40, $0x38;
	[tilespmem:$0x1EF88] =	vst v63  }
0xb0: {  	s2 =	sadd.s32 s6, s3;
	s3 =	sadd.s32 $0xFFFFFF80, s29;
	s4 =	sand.u32 $0x1FFFFFF0, s5  }
0xb1: {  	[tilespmem:s3], [sflag:$0x9] =	stream.linear.gather [hbm4b:s2+s19], $0x40, $0x38;
	[tilespmem:$0x1EF88] =	vst v63  }
0xb2: {  	s30 =	sadd.s32 $0x10, s30;
	s29 =	sadd.s32 $0x800, s29;
	s2 =	sadd.s32 s6, s4  }
0xb3: {  	[tilespmem:s28], [sflag:$0x9] =	stream.linear.gather [hbm4b:s2+s19], $0x40, $0x38;
	[tilespmem:$0x1EF88] =	vst v63  }
0xb4: {  	s12 =	rddreg [dreg:$0x6]  }
0xb5: {  	s14 =	rddreg [dreg:$0x7]  }
0xb6: {  	s15 =	rddreg [dreg:$0x8]  }
0xb7: {  	s17 =	rddreg [dreg:$0x9]  }
0xb8: {  	s18 =	rddreg [dreg:$0xb]  }
0xb9: {  	s22 =	rddreg [dreg:$0xc]  }
.LBB2_7:
0xba: {  	p2 =	slt.u32 s25, $0x2  }
.Ltmp5:
0xbb: {  	_ = 	snop;
	(pc) =	sbr.rel @p2 .LBB2_25-.Ltmp5, $1  }
0xbc: {  	_ =	sdelay $0x3  }
0xbd: {  	p2 =	sgt.s32 s26, $0x61940;
	s0 =	smov.u32 s26;
	s2 =	sshra.s32 s26, $0x1F  }
0xbe: {  	s0 =	simm.s32 @!p2 $0x61940;
	s2 =	sand.u32 s2, s26  }
0xbf: {  	s0 =	ssub.s32 s0, s2  }
0xc0: {  	s0 =	sadd.s32 $0xFFF9E6C0, s0  }
0xc1: {  	s3 =	simm.s32 $0x9;
	s29 =	sshll.u32 s0, $0x2  }
0xc2: {  	_ =	swait.ge [sflag:s3], $0x5000;
	s2 =	ssub.s32 $0x500, s29  }
0xc3: {  	[sflag:s3] =	ssyncset.done $0x0;
	p2 =	sgt.s32 s0, $0x13F;
	s0 =	sshrl.u32 s2, $0x2  }
0xc4: {  	s30 =	simm.s32 $0xB;
	[sflag:s3] =	ssyncadd.s32 $0xFFFFB000;
	s0 =	simm.s32 @p2 $0x0  }
0xc5: {  	_ =	swait.ge [sflag:s30], s0  }
0xc6: {  	s0 =	ssub.s32 $0x0, s0;
	[sflag:s30] =	ssyncset.done $0x0  }
0xc7: {  	[sflag:s30] =	ssyncadd.s32 s0  }
0xc8: {  	v1 =	vld [tilespmem:$0xA108];
	_ =	sdelay $0x4  }
0xc9: {  	(v2sf) =	vpush v1, $0x0  }
0xca: {  	(v2sf) =	vpush v1, $0x1  }
0xcb: {  	(v2sf) =	vpush v1, $0x2;
	_ =	sdelay $0x3  }
0xcc: {  	s0 =	sadd.s32 $0x140, s26  }
0xcd: {  	s4 =	ssub.s32 $0xC3500, s26;
	p2 =	slt.s32 s14, s0  }
0xce: {  	s0 =	smov.u32 @p2 s14;
	p2 =	sgt.s32 s4, $0x0  }
0xcf: {  	s0 =	ssub.s32 s0, s26;
	s4 =	simm.s32 @!p2 $0x0  }
0xd0: {  	p2 =	slt.s32 s4, s0  }
0xd1: {  	s0 =	smov.u32 @p2 s4  }
0xd2: {  	s2 =	simm.s32 $0x1;
	p2 =	slt.s32 s0, $0x1  }
.Ltmp6:
0xd3: {  	s2 =	simm.s32 @!p1 $0x0;
	(pc) =	sbr.rel @p2 .LBB2_12-.Ltmp6, $4  }
0xd4: {  	s7 =	smul.u32 $0x500, s2  }
0xd5: {  	s3 =	spop (v2sf)  }
0xd6: {  	s31 =	sshrl.u32 s7, $0x2;
	s5 =	spop (v2sf)  }
0xd7: {  	s28 =	sadd.s32 $0xAD08, s31;
	s26 =	spop (v2sf)  }
0xd8: {  	s4 =	smin.u32 s0, $0x10  }
0xd9: {  	v1 =	vmov s4  }
0xda: {  	p3 =	sgt.s32 s0, $0x10;
	vm1 =	vgt.u32 v1, v0  }
.Ltmp7:
0xdb: {  	_ = 	snop;
	(pc) =	sbr.rel @!p3 .LBB2_11-.Ltmp7, $2  }
0xdc: {  	_ =	sdelay $0x2  }
0xdd: {  	s9 =	simm.s32 $0x10;
	s10 =	sadd.s32 $0xFFFFFFF0, s0;
	s4 =	smov.u32 s28;
	vm0 =	vmmov vm1  }
.LBB2_10:
0xde: {  	s7 =	smin.u32 s10, $0x10;
	s9 =	sadd.s32 $0x10, s9;
	v1 =	vld.msk [tilespmem:s4+$0x0 ss:$0x1], vm1  }
0xdf: {  	v2 =	vmov s7;
	p3 =	slt.s32 s9, s0  }
0xe0: {  	vm1 =	vgt.u32 v2, v0  }
.Ltmp8:
0xe1: {  	(pc) =	sbr.rel @p3 .LBB2_10-.Ltmp8, $3  }
0xe2: {  	_ =	sdelay $0x1  }
0xe3: {  	v1 =	vshll.u32 v1, $0x4  }
0xe4: {  	s10 =	sadd.s32 $0xFFFFFFF0, s10;
	[tilespmem:s4+$0x0] =	vst.msk vm0, v1;
	s4 =	sadd.s32 $0x10, s4;
	vm0 =	vmmov vm1  }
.LBB2_11:
0xe5: {  	_ =	sdelay $0x4  }
0xe6: {  	v1 =	vld.msk [tilespmem:s4+$0x0 ss:$0x1], vm1;
	_ =	sdelay $0x4  }
0xe7: {  	v1 =	vshll.u32 v1, $0x4  }
0xe8: {  	[tilespmem:s4+$0x0] =	vst.msk vm0, v1  }
.LBB2_12:
0xe9: {  	s4 =	sand.u32 $0x1, s25  }
0xea: {  	s7 =	smul.u32 $0xA000, s4  }
0xeb: {  	p3 =	sne.s32 s5, $0xFFFFFFFF;
	s4 =	smul.u32 $0x140, s4  }
0xec: {  	v1 =	vld @!p3 [tilespmem:s7+$0xAF88]  }
0xed: {  	v2 =	vld.msk @!p3 [tilespmem:s4+$0xAD08], $0x1;
	_ =	sdelay $0x3  }
0xee: {  	[tilespmem:$0x88] =	vst @!p3 v1  }
0xef: {  	(v2sf) =	vpush @!p3 v2, $0x0;
	v1 =	vld @!p3 [tilespmem:s7+$0xAF98];
	_ =	sdelay $0x4  }
0xf0: {  	[tilespmem:$0x98] =	vst @!p3 v1  }
0xf1: {  	v1 =	vld @!p3 [tilespmem:s7+$0xAFA8];
	_ =	sdelay $0x4  }
0xf2: {  	[tilespmem:$0xA8] =	vst @!p3 v1  }
0xf3: {  	v1 =	vld @!p3 [tilespmem:s7+$0xAFB8]  }
.Ltmp9:
0xf4: {  	_ = 	snop;
	(pc) =	sbr.rel @p2 .LBB2_23-.Ltmp9, $4  }
0xf5: {  	_ = 	snop  }
0xf6: {  	s29 =	spop @!p3 (v2sf)  }
0xf7: {  	s31 =	simm.s32 $0xC;
	s26 =	simm.s32 @!p3 $0x0;
	s4 =	smov.u32 s29  }
0xf8: {  	s29 =	smov.u32 @p3 s3;
	s4 =	smov.u32 @p3 s5;
	[tilespmem:$0xB8] =	vst @!p3 v1;
	[sflag:s31] =	ssyncpa.u1 $0x0  }
0xf9: {  	v1 =	vld.msk [tilespmem:s28+$0x0], $0x1;
	_ =	sdelay $0x4  }
0xfa: {  	(v2sf) =	vpush v1, $0x0;
	_ =	sdelay $0xe  }
0xfb: {  	s2 =	smul.u32 $0x28000, s2;
	s5 =	spop (v2sf)  }
0xfc: {  	s31 =	ssub.s32 $0x0, s0;
	p2 =	seq.s32 s29, s5  }
0xfd: {  	s3 =	smov.u32 s29;
	s2 =	sshrl.u32 s2, $0x2;
	p3 =	sgt.s32 @!p2 s29, $0x0  }
0xfe: {  	s30 =	sadd.s32 $0xAFA8, s2;
	s2 =	sadd.s32 $0x1, s31;
	p3 =	por !p3, p2  }
0xff: {  	s3 =	simm.s32 @p3 $0x0;
	p3 =	seq.s32 s2, $0x0  }
.Ltmp10:
0x100: {  	_ = 	snop;
	(pc) =	sbr.rel @p3 .LBB2_15-.Ltmp10, $4  }
0x101: {  	_ = 	snop  }
0x102: {  	s0 =	simm.s32 $0x0;
	s9 =	simm.s32 @!p2 $0x1;
	s3 =	smin.u32 @!p2 s3, $0xC34F8  }
0x103: {  	s10 =	simm.s32 @!p2 $0x50C8;
	s9 =	smov.u32 @p2 s0;
	s7 =	sand.u32 @!p2 $0xFFFF8, s3  }
0x104: {  	s16 =	sand.u32 @!p2 $0x7, s3;
	s3 =	sadd.s32 $0x1, s28;
	s11 =	sadd.s32 @!p2 s1, s7  }
.LBB2_14:
0x105: {  	s7 =	smov.u32 s9  }
0x106: {  	[tilespmem:s10], [sflag:$0x2] =	stream.linear.gather @!p2 [hbm4b:s11+s16], $0x40, $0x38;
	[tilespmem:$0x1EF88] =	vst v63  }
0x107: {  	s2 =	sadd.s32 $0x1, s2;
	s8 =	smov.u32 s5;
	v1 =	vld.msk [tilespmem:s3+$0x0], $0x1  }
0x108: {  	p3 =	seq.s32 s2, $0x0;
	_ =	sdelay $0x3  }
0x109: {  	(v2sf) =	vpush v1, $0x0;
	_ =	sdelay $0xe  }
0x10a: {  	s5 =	spop (v2sf)  }
0x10b: {  	p2 =	seq.s32 s8, s5  }
0x10c: {  	p4 =	sgt.s32 @!p2 s8, $0x0;
	s10 =	sshll.u32 @!p2 s9, $0x8;
	s9 =	sadd.s32 @!p2 $0x1, s9  }
.Ltmp11:
0x10d: {  	p4 =	por !p4, p2;
	s10 =	sshra.s32 @!p2 s10, $0x2;
	(pc) =	sbr.rel @!p3 .LBB2_14-.Ltmp11, $4  }
0x10e: {  	s9 =	smov.u32 @p2 s7;
	s8 =	simm.s32 @p4 $0x0;
	s10 =	sadd.s32 @!p2 $0x50C8, s10  }
0x10f: {  	s7 =	smin.u32 @!p2 s8, $0xC34F8  }
0x110: {  	s8 =	sand.u32 @!p2 $0xFFFF8, s7;
	s16 =	sand.u32 @!p2 $0x7, s7  }
0x111: {  	s3 =	sadd.s32 $0x1, s3;
	s11 =	sadd.s32 @!p2 s1, s8  }
.LBB2_15:
0x112: {  	[tilespmem:s10], [sflag:$0x2] =	stream.linear.gather @!p2 [hbm4b:s11+s16], $0x40, $0x38;
	[tilespmem:$0x1EF88] =	vst v63  }
.Ltmp12:
0x113: {  	s2 =	sshll.u32 s9, $0x6;
	(pc) =	sbr.rel .LBB2_16-.Ltmp12, $4  }
0x114: {  	s3 =	simm.s32 $0x2;
	s2 =	sand.u32 $0x3FFFFFC0, s2  }
0x115: {  	_ =	swait.ge [sflag:s3], s2  }
0x116: {  	s2 =	ssub.s32 $0x0, s2;
	[sflag:s3] =	ssyncset.done $0x0  }
0x117: {  	[sflag:s3] =	ssyncadd.s32 s2;
	s2 =	simm.s32 $0x0  }
.LBB2_17:
0x118: {  	v1 =	vld [tilespmem:s30+$0xFFFFFFE0]  }
0x119: {  	v2 =	vld [tilespmem:s3+$0x88];
	_ =	sdelay $0x4  }
0x11a: {  	v1 =	vmin.f32 v1, v2  }
0x11b: {  	v2 =	vld [tilespmem:s3+$0x98];
	[tilespmem:s3+$0x88] =	vst v1  }
0x11c: {  	v1 =	vld [tilespmem:s30+$0xFFFFFFF0];
	_ =	sdelay $0x4  }
0x11d: {  	v1 =	vmin.f32 v1, v2  }
0x11e: {  	v2 =	vld [tilespmem:s3+$0xA8];
	[tilespmem:s3+$0x98] =	vst v1  }
0x11f: {  	v1 =	vld [tilespmem:s30+$0x0];
	_ =	sdelay $0x4  }
0x120: {  	v1 =	vmin.f32 v1, v2  }
0x121: {  	v2 =	vld [tilespmem:s3+$0xB8];
	[tilespmem:s3+$0xA8] =	vst v1  }
0x122: {  	v1 =	vld [tilespmem:s30+$0x10];
	_ =	sdelay $0x4  }
0x123: {  	v1 =	vmin.f32 v1, v2  }
0x124: {  	[tilespmem:s3+$0xB8] =	vst v1  }
.LBB2_21:
0x125: {  	s31 =	sadd.s32 $0x1, s31  }
0x126: {  	p2 =	seq.s32 s31, $0x0  }
.Ltmp13:
0x127: {  	_ = 	snop;
	(pc) =	sbr.rel @p2 .LBB2_22-.Ltmp13, $2  }
0x128: {  	_ =	sdelay $0x2  }
0x129: {  	s30 =	sadd.s32 $0x80, s30;
	s28 =	sadd.s32 $0x1, s28;
	s29 =	smov.u32 s5  }
.LBB2_16:
0x12a: {  	v1 =	vld.msk [tilespmem:s28+$0x0], $0x1;
	_ =	sdelay $0x4  }
0x12b: {  	(v2sf) =	vpush v1, $0x0;
	_ =	sdelay $0xe  }
0x12c: {  	s5 =	spop (v2sf)  }
0x12d: {  	p2 =	sne.s32 s29, s5  }
.Ltmp14:
0x12e: {  	_ = 	snop;
	(pc) =	sbr.rel @!p2 .LBB2_17-.Ltmp14, $3  }
0x12f: {  	_ =	sdelay $0x1  }
0x130: {  	s3 =	sshll.u32 s26, $0x8  }
0x131: {  	s3 =	sshra.s32 s3, $0x2  }
0x132: {  	p2 =	seq.s32 s29, s4  }
.Ltmp15:
0x133: {  	_ = 	snop;
	(pc) =	sbr.rel @!p2 .LBB2_19-.Ltmp15, $1  }
0x134: {  	_ =	sdelay $0x3  }
.Ltmp16:
0x135: {  	s3 =	sadd.s32 $0x88, s3;
	(pc) =	sbr.rel .LBB2_20-.Ltmp16, $4  }
0x136: {  	[spmem:s18] =	stream.linear.scatter [tilespmem:s3], [sflag:$0x1], $0x40, $0x38;
	[tilespmem:$0x1EF88] =	vst v63  }
0x137: {  	_ =	swait.ge [sflag:s13], $0x40  }
0x138: {  	[sflag:s13] =	ssyncset.done $0x0  }
0x139: {  	[sflag:s13] =	ssyncadd.s32 $0xFFFFFFC0  }
.LBB2_19:
0x13a: {  	s7 =	sshll.u32 s0, $0x8  }
0x13b: {  	v2 =	vld [tilespmem:s3+$0x88];
	s7 =	sshra.s32 s7, $0x2  }
0x13c: {  	v1 =	vld [tilespmem:s7+$0x50C8];
	_ =	sdelay $0x4  }
0x13d: {  	v1 =	vmin.f32 v1, v2  }
0x13e: {  	v2 =	vld [tilespmem:s3+$0x98];
	[tilespmem:s3+$0x88] =	vst v1  }
0x13f: {  	v1 =	vld [tilespmem:s7+$0x50D8];
	_ =	sdelay $0x4  }
0x140: {  	v1 =	vmin.f32 v1, v2  }
0x141: {  	v2 =	vld [tilespmem:s3+$0xA8];
	[tilespmem:s3+$0x98] =	vst v1  }
0x142: {  	v1 =	vld [tilespmem:s7+$0x50E8];
	_ =	sdelay $0x4  }
0x143: {  	v1 =	vmin.f32 v1, v2  }
0x144: {  	v2 =	vld [tilespmem:s3+$0xB8];
	[tilespmem:s3+$0xA8] =	vst v1  }
0x145: {  	v1 =	vld [tilespmem:s7+$0x50F8];
	_ =	sdelay $0x3  }
0x146: {  	p2 =	sgt.u32 s29, $0xC34F8  }
0x147: {  	s7 =	sand.u32 @!p2 $0xFFFF8, s29;
	v1 =	vmin.f32 v1, v2  }
0x148: {  	s8 =	sadd.s32 $0x88, s3;
	[tilespmem:s3+$0xB8] =	vst v1;
	s3 =	sadd.s32 @!p2 s1, s7;
	s7 =	sand.u32 @!p2 $0x7, s29  }
0x149: {  	[hbm4b:s3+s7] =	stream.linear.scatter @!p2 [tilespmem:s8], [sflag:$0xC], $0x40, $0x38;
	[tilespmem:$0x1EF88] =	vst v63  }
0x14a: {  	s3 =	simm.s32 $0x0  }
0x14b: {  	s3 =	simm.s32 @!p2 $0x100  }
0x14c: {  	s2 =	sadd.s32 s3, s2  }
.LBB2_20:
0x14d: {  	s3 =	sadd.s32 $0x1, s26  }
0x14e: {  	s7 =	smulhi.u32 $0xCCCCCCCD, s3;
	_ =	sdelay $0x1  }
0x14f: {  	v1 =	vld [tilespmem:s30+$0xFFFFFFE0];
	s7 =	sshrl.u32 s7, $0x8  }
0x150: {  	s7 =	smul.u32 $0x140, s7;
	_ =	sdelay $0x1  }
0x151: {  	s26 =	ssub.s32 s3, s7  }
0x152: {  	s3 =	sshll.u32 s26, $0x6  }
0x153: {  	[tilespmem:s3+$0x88] =	vst v1  }
0x154: {  	v1 =	vld [tilespmem:s30+$0xFFFFFFF0];
	_ =	sdelay $0x4  }
0x155: {  	[tilespmem:s3+$0x98] =	vst v1  }
0x156: {  	v1 =	vld [tilespmem:s30+$0x0];
	_ =	sdelay $0x4  }
0x157: {  	[tilespmem:s3+$0xA8] =	vst v1  }
0x158: {  	v1 =	vld [tilespmem:s30+$0x10]  }
.Ltmp17:
0x159: {  	_ = 	snop;
	(pc) =	sbr.rel .LBB2_21-.Ltmp17, $2  }
0x15a: {  	_ =	sdelay $0x2  }
0x15b: {  	s0 =	sadd.s32 $0x1, s0;
	[tilespmem:s3+$0xB8] =	vst v1  }
.LBB2_23:
.Ltmp18:
0x15c: {  	(pc) =	sbr.rel .LBB2_24-.Ltmp18, $4  }
0x15d: {  	_ = 	snop  }
0x15e: {  	s0 =	simm.s32 $0x2  }
0x15f: {  	_ =	swait.ge [sflag:s0], $0x0  }
0x160: {  	s5 =	smov.u32 s29;
	[sflag:s0] =	ssyncset.done $0x0;
	s0 =	simm.s32 $0x0  }
.LBB2_26:
0x161: {  	_ =	sfence.sel $0x180000  }
0x162: {  	s0 =	simm.s32 $0x9;
	[bflag:$0x0] =	sbarrier.arrive $0xFFFF  }
0x163: {  	s24 =	simm.s32 $0xA;
	[sflag:s0] =	ssyncpa.u1 $0x1  }
0x164: {  	s25 =	simm.s32 $0xB;
	[sflag:s24] =	ssyncpa.u1 $0x1  }
0x165: {  	s26 =	simm.s32 $0x2;
	[sflag:s25] =	ssyncpa.u1 $0x1  }
0x166: {  	[sflag:s26] =	ssyncpa.u1 $0x1  }
0x167: {  	v0 =	vld [tilespmem:$0xA108];
	_ =	sdelay $0x4  }
0x168: {  	(v2sf) =	vpush v0, $0x0  }
0x169: {  	(v2sf) =	vpush v0, $0x1;
	_ =	sdelay $0x1  }
0x16a: {  	(v2sf) =	vpush v0, $0x2;
	_ =	sdelay $0xb  }
0x16b: {  	s0 =	spop (v2sf)  }
0x16c: {  	s2 =	spop (v2sf)  }
0x16d: {  	s3 =	smov.u32 s0;
	p0 =	sne.s32 s0, s2  }
0x16e: {  	s4 =	spop (v2sf);
	s3 =	simm.s32 @!p0 $0xFFFFFFFF  }
0x16f: {  	v2 =	vimm.s32 $0x1;
	v3 =	vlaneseq.u32;
	p0 =	seq.s32 s4, $0xFFFFFFFF;
	v1 =	vmov s3  }
0x170: {  	s14 =	stileid.u32;
	v0 =	vperm.xlane v0, v2;
	p1 =	sne.s32 @!p0 s0, s2;
	v1 =	vperm.xlane v1, v3  }
0x171: {  	vm0 =	vcmask $0x3F04;
	s6 =	simm.s32 $0xA108;
	s0 =	simm.s32 @!p0 $0x1;
	p1 =	por !p1, p0  }
0x172: {  	s3 =	sshll.u32 s14, $0x1;
	s2 =	sshll.u32 @!p0 s4, $0x8;
	s0 =	simm.s32 @p1 $0x0;
	v0 =	vsel vm0, v1, v0  }
0x173: {  	s5 =	sor.u32 $0x800, s3;
	s2 =	sshra.s32 @!p0 s2, $0x2;
	s0 =	sor.u32 @!p0 s0, s3;
	[tilespmem:$0xA108] =	vst v0  }
0x174: {  	[spmem:s5] =	stream.linear.scatter [tilespmem:s6], [sflag:$0x1], $0x2, $0x38;
	[tilespmem:$0x1EF88] =	vst v63  }
0x175: {  	s2 =	sadd.s32 @!p0 $0x88, s2;
	s0 =	sshll.u32 @!p0 s0, $0x6  }
0x176: {  	[spmem:s0] =	stream.linear.scatter @!p0 [tilespmem:s2], [sflag:$0x1], $0x40, $0x38;
	[tilespmem:$0x1EF88] =	vst v63  }
0x177: {  	s0 =	simm.s32 @!p0 $0x42  }
0x178: {  	s28 =	simm.s32 $0x1;
	s0 =	simm.s32 @p0 $0x2  }
0x179: {  	_ =	swait.ge [sflag:s28], s0  }
0x17a: {  	s0 =	ssub.s32 $0x0, s0;
	[sflag:s28] =	ssyncset.done $0x0  }
0x17b: {  	p0 =	sne.s32 s14, $0x0;
	[sflag:s28] =	ssyncadd.s32 s0  }
.Ltmp19:
0x17c: {  	_ =	sfence.stream.spmem;
	(pc) =	sbr.rel @p0 .LBB2_43-.Ltmp19, $4  }
0x17d: {  	s29 =	simm.s32 $0x3;
	[bflag:$0x0] =	sbarrier.arrive $0xFFFF  }
0x17e: {  	s30 =	simm.s32 $0x4;
	[sflag:s29] =	ssyncpa.u1 $0x1  }
0x17f: {  	s31 =	simm.s32 $0x3C;
	[sflag:s30] =	ssyncpa.u1 $0x1  }
0x180: {  	s13 =	rddreg [dreg:$0x5];
	[sflag:s31] =	ssyncpa.u1 $0x1  }
0x181: {  	_ =	sfence.stream.spmem;
	s0 =	simm.s32 $0x5  }
0x182: {  	s2 =	simm.s32 $0x800;
	s3 =	simm.s32 $0xA118;
	[sflag:s0] =	ssyncpa.u1 $0x0  }
0x183: {  	[tilespmem:s3], [sflag:$0x5] =	stream.linear.gather [spmem:s2], $0x20, $0x38;
	[tilespmem:$0x1EF88] =	vst v63  }
0x184: {  	s26 =	simm.s32 $0x0;
	s28 =	simm.s32 $0xA138  }
0x185: {  	[tilespmem:s28], [sflag:$0x5] =	stream.linear.gather [spmem:s26], $0x800, $0x38;
	[tilespmem:$0x1EF88] =	vst v63  }
0x186: {  	_ =	swait.ge [sflag:s0], $0x820  }
0x187: {  	[sflag:s0] =	ssyncset.done $0x0  }
0x188: {  	s29 =	simm.s32 $0x0;
	[sflag:s0] =	ssyncadd.s32 $0xFFFFF7E0  }
0x189: {  	v0 =	vld.msk [tilespmem:s29+$0xA118], $0x1;
	_ =	sdelay $0x1  }
0x18a: {  	s30 =	simm.s32 $0x1  }
0x18b: {  	v1 =	vld.msk [tilespmem:s30+$0xA118], $0x1;
	_ =	sdelay $0x1  }
0x18c: {  	(v2sf) =	vpush v0, $0x0;
	_ =	sdelay $0x2  }
0x18d: {  	(v2sf) =	vpush v1, $0x0;
	_ =	sdelay $0x2  }
0x18e: {  	s31 =	simm.s32 $0x2  }
0x18f: {  	v0 =	vld.msk [tilespmem:s31+$0xA118], $0x1;
	_ =	sdelay $0x2  }
0x190: {  	s2 =	simm.s32 $0xFFFFFFFF;
	s3 =	simm.s32 $0xFFFFFFFF;
	s0 =	simm.s32 $0xC  }
.LBB2_28:
0x191: {  	s4 =	smov.u32 s3;
	s5 =	smov.u32 s2  }
0x192: {  	s2 =	sshra.s32 s0, $0x2;
	p1 =	sne.s32 s0, $0x7C;
	s0 =	sadd.s32 $0x4, s0;
	(v2sf) =	vpush v0, $0x0  }
0x193: {  	v0 =	vld.msk [tilespmem:s2+$0xA118], $0x1  }
.Ltmp20:
0x194: {  	(pc) =	sbr.rel @p1 .LBB2_28-.Ltmp20, $4  }
0x195: {  	s3 =	spop (v2sf)  }
0x196: {  	p2 =	sne.s32 s5, $0xFFFFFFFF;
	s2 =	smov.u32 s3  }
0x197: {  	p3 =	seq.s32 s3, $0xFFFFFFFF;
	s2 =	smov.u32 @p2 s5  }
0x198: {  	s3 =	smov.u32 @p3 s4;
	s2 =	smov.u32 @p3 s5  }
0x199: {  	(v2sf) =	vpush v0, $0x0;
	_ =	sdelay $0x8  }
0x19a: {  	s0 =	spop (v2sf)  }
0x19b: {  	p1 =	sne.s32 s2, $0xFFFFFFFF;
	s4 =	smov.u32 s0  }
0x19c: {  	s6 =	simm.s32 $0x0;
	p2 =	seq.s32 s0, $0xFFFFFFFF;
	s4 =	smov.u32 @p1 s2  }
0x19d: {  	s9 =	simm.s32 $0xA0C8;
	s4 =	smov.u32 @p2 s2;
	s2 =	spop (v2sf)  }
0x19e: {  	s0 =	smov.u32 @p2 s3;
	p1 =	sne.s32 s4, $0xFFFFFFFF;
	s5 =	smov.u32 s2  }
.Ltmp21:
0x19f: {  	p2 =	seq.s32 s2, $0xFFFFFFFF;
	s5 =	smov.u32 @p1 s4;
	(pc) =	sbr.rel .LBB2_30-.Ltmp21, $4  }
0x1a0: {  	s10 =	simm.s32 $0x0;
	s5 =	smov.u32 @p2 s4;
	s7 =	spop (v2sf)  }
0x1a1: {  	s2 =	smov.u32 @p2 s0;
	p1 =	sne.s32 s5, $0xFFFFFFFF;
	s8 =	smov.u32 s7  }
0x1a2: {  	s0 =	simm.s32 $0x6;
	p2 =	seq.s32 s7, $0xFFFFFFFF;
	s8 =	smov.u32 @p1 s5  }
0x1a3: {  	[sflag:s0] =	ssyncpa.u1 $0x0;
	s7 =	smov.u32 @p2 s2;
	s8 =	smov.u32 @p2 s5  }
.LBB2_36:
0x1a4: {  	p1 =	sgt.u32 s2, $0xC34F8  }
0x1a5: {  	p2 =	seq.s32 @!p1 s2, s8  }
0x1a6: {  	p1 =	por p1, p2  }
0x1a7: {  	p2 =	sne.s32 @!p1 s2, s7  }
0x1a8: {  	p1 =	por p1, !p2  }
0x1a9: {  	s2 =	sshll.u32 @p1 s10, $0x8  }
0x1aa: {  	s3 =	sand.u32 @!p1 $0xFFFF8, s2  }
0x1ab: {  	s2 =	sand.u32 @!p1 $0x7, s2;
	s3 =	sadd.s32 @!p1 s1, s3  }
0x1ac: {  	[tilespmem:s9], [sflag:$0x6] =	stream.linear.gather @!p1 [hbm4b:s3+s2], $0x40, $0x38;
	[tilespmem:$0x1EF88] =	vst v63  }
0x1ad: {  	_ =	swait.ge @!p1 [sflag:s0], $0x40  }
0x1ae: {  	[sflag:s0] =	ssyncset.done @!p1 $0x0  }
0x1af: {  	s2 =	sshll.u32 @!p1 s10, $0x8;
	[sflag:s0] =	ssyncadd.s32 @!p1 $0xFFFFFFC0  }
0x1b0: {  	s3 =	sshrl.u32 @!p1 s2, $0x2;
	v1 =	vld @!p1 [tilespmem:$0xA0C8]  }
0x1b1: {  	v2 =	vld @!p1 [tilespmem:s3+$0xA138];
	_ =	sdelay $0x4  }
0x1b2: {  	v1 =	vmin.f32 @!p1 v1, v2  }
0x1b3: {  	v2 =	vld @!p1 [tilespmem:s3+$0xA148];
	[tilespmem:s3+$0xA138] =	vst @!p1 v1  }
0x1b4: {  	v1 =	vld @!p1 [tilespmem:$0xA0D8];
	_ =	sdelay $0x4  }
0x1b5: {  	v1 =	vmin.f32 @!p1 v1, v2  }
0x1b6: {  	v2 =	vld @!p1 [tilespmem:s3+$0xA158];
	[tilespmem:s3+$0xA148] =	vst @!p1 v1  }
0x1b7: {  	v1 =	vld @!p1 [tilespmem:$0xA0E8];
	_ =	sdelay $0x4  }
0x1b8: {  	v1 =	vmin.f32 @!p1 v1, v2  }
0x1b9: {  	v2 =	vld @!p1 [tilespmem:s3+$0xA168];
	[tilespmem:s3+$0xA158] =	vst @!p1 v1  }
0x1ba: {  	v1 =	vld @!p1 [tilespmem:$0xA0F8];
	_ =	sdelay $0x4  }
0x1bb: {  	v1 =	vmin.f32 @!p1 v1, v2  }
0x1bc: {  	[tilespmem:s3+$0xA168] =	vst @!p1 v1  }
0x1bd: {  	s2 =	sshrl.u32 s2, $0x2;
	[tilespmem:s6+$0xA118] =	vst.msk $0x1, v0  }
0x1be: {  	v0 =	vld [tilespmem:s2+$0xA138];
	_ =	sdelay $0x2  }
0x1bf: {  	s31 =	sshll.u32 s6, $0x8  }
0x1c0: {  	s3 =	sshra.s32 s31, $0x2  }
0x1c1: {  	[tilespmem:s3+$0xA138] =	vst v0  }
0x1c2: {  	v0 =	vld [tilespmem:s2+$0xA148];
	_ =	sdelay $0x4  }
0x1c3: {  	[tilespmem:s3+$0xA148] =	vst v0  }
0x1c4: {  	v0 =	vld [tilespmem:s2+$0xA158];
	_ =	sdelay $0x4  }
0x1c5: {  	[tilespmem:s3+$0xA158] =	vst v0  }
0x1c6: {  	v0 =	vld [tilespmem:s2+$0xA168];
	_ =	sdelay $0x4  }
0x1c7: {  	s6 =	sadd.s32 $0x1, s6;
	[tilespmem:s3+$0xA168] =	vst v0  }
.LBB2_37:
0x1c8: {  	s10 =	sadd.s32 $0x1, s10  }
0x1c9: {  	p1 =	sne.s32 s10, $0x20  }
.Ltmp22:
0x1ca: {  	_ = 	snop;
	(pc) =	sbr.rel @!p1 .LBB2_38-.Ltmp22, $1  }
0x1cb: {  	_ =	sdelay $0x3  }
.LBB2_30:
0x1cc: {  	v0 =	vld.msk [tilespmem:s10+$0xA118], $0x1;
	_ =	sdelay $0x4  }
0x1cd: {  	(v2sf) =	vpush v0, $0x0;
	_ =	sdelay $0xe  }
0x1ce: {  	s2 =	spop (v2sf)  }
0x1cf: {  	p1 =	seq.s32 s2, $0xFFFFFFFF  }
.Ltmp23:
0x1d0: {  	_ = 	snop;
	(pc) =	sbr.rel @p1 .LBB2_37-.Ltmp23, $1  }
0x1d1: {  	_ =	sdelay $0x3  }
0x1d2: {  	p1 =	slt.s32 s6, $0x1  }
.Ltmp24:
0x1d3: {  	_ = 	snop;
	(pc) =	sbr.rel @p1 .LBB2_36-.Ltmp24, $1  }
0x1d4: {  	_ =	sdelay $0x3  }
0x1d5: {  	s3 =	simm.s32 $0xA118;
	p1 =	por $0x0, $0x0  }
0x1d6: {  	v1 =	vld.msk @!p1 [tilespmem:s3+$0x0], $0x1;
	_ =	sdelay $0x4  }
0x1d7: {  	(v2sf) =	vpush @!p1 v1, $0x0;
	_ =	sdelay $0xd  }
0x1d8: {  	p3 =	sne.s32 s6, $0x1  }
.Ltmp25:
0x1d9: {  	s4 =	spop @!p1 (v2sf);
	(pc) =	sbr.rel @!p3 .LBB2_34-.Ltmp25, $4  }
0x1da: {  	p2 =	seq.s32 @!p1 s2, s4  }
0x1db: {  	s4 =	simm.s32 $0x0;
	p2 =	por !p2, p1  }
0x1dc: {  	s11 =	simm.s32 $0xFFFFFFFF;
	s4 =	simm.s32 @p2 $0xFFFFFFFF  }
0x1dd: {  	s5 =	simm.s32 $0x1;
	s4 =	smov.u32 @p1 s11  }
.LBB2_33:
0x1de: {  	s11 =	smov.u32 s4;
	p1 =	sne.s32 s4, $0xFFFFFFFF  }
0x1df: {  	s3 =	sadd.s32 $0x1, s3;
	s4 =	smov.u32 s5;
	s5 =	sadd.s32 $0x1, s5  }
0x1e0: {  	p2 =	sne.s32 s6, s5;
	v1 =	vld.msk @!p1 [tilespmem:s3+$0x0], $0x1;
	_ =	sdelay $0x4  }
0x1e1: {  	(v2sf) =	vpush @!p1 v1, $0x0;
	_ =	sdelay $0xe  }
.Ltmp26:
0x1e2: {  	s12 =	spop @!p1 (v2sf);
	(pc) =	sbr.rel @p2 .LBB2_33-.Ltmp26, $4  }
0x1e3: {  	p3 =	seq.s32 @!p1 s2, s12  }
0x1e4: {  	p3 =	por !p3, p1  }
0x1e5: {  	s4 =	simm.s32 @p3 $0xFFFFFFFF  }
0x1e6: {  	s4 =	smov.u32 @p1 s11  }
.LBB2_34:
0x1e7: {  	p1 =	seq.s32 s4, $0xFFFFFFFF  }
.Ltmp27:
0x1e8: {  	_ = 	snop;
	(pc) =	sbr.rel @p1 .LBB2_36-.Ltmp27, $1  }
0x1e9: {  	_ =	sdelay $0x3  }
0x1ea: {  	s2 =	sshll.u32 s10, $0x6  }
0x1eb: {  	s3 =	sshll.u32 s4, $0x8;
	s2 =	sand.u32 $0x3FFFFFC0, s2  }
0x1ec: {  	s3 =	sshra.s32 s3, $0x2;
	v0 =	vld [tilespmem:s2+$0xA138]  }
0x1ed: {  	v1 =	vld [tilespmem:s3+$0xA138];
	_ =	sdelay $0x4  }
0x1ee: {  	v0 =	vmin.f32 v0, v1  }
0x1ef: {  	v61 =	vld [tilespmem:s3+$0xA148];
	[tilespmem:s3+$0xA138] =	vst v0  }
0x1f0: {  	v0 =	vld [tilespmem:s2+$0xA148];
	_ =	sdelay $0x4  }
0x1f1: {  	v0 =	vmin.f32 v0, v61  }
0x1f2: {  	v62 =	vld [tilespmem:s3+$0xA158];
	[tilespmem:s3+$0xA148] =	vst v0  }
0x1f3: {  	v0 =	vld [tilespmem:s2+$0xA158];
	_ =	sdelay $0x4  }
0x1f4: {  	v0 =	vmin.f32 v0, v62  }
0x1f5: {  	v63 =	vld [tilespmem:s3+$0xA168];
	[tilespmem:s3+$0xA158] =	vst v0  }
0x1f6: {  	v0 =	vld [tilespmem:s2+$0xA168];
	_ =	sdelay $0x1  }
.Ltmp28:
0x1f7: {  	_ = 	snop;
	(pc) =	sbr.rel .LBB2_37-.Ltmp28, $3  }
0x1f8: {  	_ =	sdelay $0x1  }
0x1f9: {  	v0 =	vmin.f32 v0, v63  }
0x1fa: {  	[tilespmem:s3+$0xA168] =	vst v0  }
.LBB2_38:
0x1fb: {  	s0 =	simm.s32 $0x6;
	p1 =	seq.s32 s6, $0x0  }
0x1fc: {  	[sflag:s0] =	ssyncpa.u1 $0x1;
	v0 =	vimm.s32 @p1 $0xFFFFFFFF  }
0x1fd: {  	s0 =	sadd.s32 $0xFFFFFFFF, s6;
	[tilespmem:$0xA938] =	vst @p1 v0  }
0x1fe: {  	v0 =	vld.msk @!p1 [tilespmem:s0+$0xA118], $0x1;
	_ =	sdelay $0x1  }
0x1ff: {  	v1 =	vld.msk @!p1 [tilespmem:$0xA118], $0x1;
	_ =	sdelay $0x2  }
0x200: {  	p2 =	seq.s32 @!p1 s0, $0x0;
	v0 =	vbroadcast @!p1 v0, $0x0  }
0x201: {  	vm0 =	vmmov @!p1 $0x1;
	p2 =	por !p2, p1  }
0x202: {  	v1 =	vnsel @!p1 vm0, $0xFFFFFFFF, v1;
	vm0 =	vcmask @!p1 $0x308;
	v0 =	vpsel !p2, $0xFFFFFFFF, v0  }
0x203: {  	p2 =	sne.s32 @!p1 s8, s7;
	v0 =	vsel @!p1 vm0, v1, v0  }
0x204: {  	s2 =	simm.s32 @!p1 $0xA138;
	s3 =	simm.s32 @!p1 $0x0;
	p3 =	por !p2, p1;
	[tilespmem:$0xA938] =	vst @!p1 v0  }
0x205: {  	[spmem:s3] =	stream.linear.scatter @!p1 [tilespmem:s2], [sflag:$0x1], $0x40, $0x38;
	[tilespmem:$0x1EF88] =	vst v63  }
0x206: {  	s2 =	sshll.u32 @!p3 s0, $0x8  }
0x207: {  	s2 =	sshra.s32 @!p3 s2, $0x2  }
0x208: {  	s3 =	simm.s32 @!p3 $0x40;
	s2 =	sadd.s32 @!p3 $0xA138, s2  }
0x209: {  	[spmem:s3] =	stream.linear.scatter @!p3 [tilespmem:s2], [sflag:$0x1], $0x40, $0x38;
	[tilespmem:$0x1EF88] =	vst v63  }
0x20a: {  	s2 =	simm.s32 @!p3 $0x1  }
0x20b: {  	_ =	swait.ge @!p3 [sflag:s2], $0x80  }
0x20c: {  	p1 =	por p2, p1;
	[sflag:s2] =	ssyncset.done @!p3 $0x0  }
0x20d: {  	[sflag:s2] =	ssyncadd.s32 @!p3 $0xFFFFFF80;
	s2 =	simm.s32 @!p1 $0x1  }
0x20e: {  	_ =	swait.ge @!p1 [sflag:s2], $0x40  }
0x20f: {  	s29 =	simm.s32 $0xA938;
	[sflag:s2] =	ssyncset.done @!p1 $0x0  }
0x210: {  	s30 =	simm.s32 $0x800;
	s31 =	simm.s32 $0x1;
	[sflag:s2] =	ssyncadd.s32 @!p1 $0xFFFFFFC0  }
0x211: {  	[spmem:s30] =	stream.linear.scatter [tilespmem:s29], [sflag:$0x1], $0x10, $0x38;
	[tilespmem:$0x1EF88] =	vst v63  }
0x212: {  	_ =	swait.ge [sflag:s31], $0x10  }
0x213: {  	[sflag:s31] =	ssyncset.done $0x0  }
0x214: {  	p1 =	seq.s32 s13, $0x0;
	s9 =	rddreg [dreg:$0x2];
	[sflag:s31] =	ssyncadd.s32 $0xFFFFFFF0  }
0x215: {  	s3 =	sshll.u32 @p1 s9, $0xE;
	s8 =	rddreg [dreg:$0x3]  }
0x216: {  	s2 =	sadd.s32 @p1 $0x15C3C, s3;
	s3 =	sshll.u32 @p1 s8, $0x11  }
0x217: {  	_ =	sfence.stream.spmem;
	s2 =	sor.u32 @p1 s3, s2  }
0x218: {  	[sflag:s2] =	ssyncadd.remote.s32 @p1 $0x1;
	s2 =	simm.s32 @p1 $0x4  }
0x219: {  	s4 =	simm.s32 @!p1 $0x3C;
	s3 =	sand.u32 $0xFFFFFFFE, s9;
	_ =	swait.ge @p1 [sflag:s2], $0x12  }
0x21a: {  	s5 =	simm.s32 @!p1 $0x0;
	s3 =	sadd.s32 @!p1 $0x4, s3;
	[sflag:s2] =	ssyncset.done @p1 $0x0  }
0x21b: {  	s7 =	simm.s32 @!p1 $0x80;
	[sflag:s2] =	ssyncadd.s32 @p1 $0xFFFFFFEE;
	s2 =	sshll.u32 @!p1 s3, $0x1A  }
0x21c: {  	s3 =	sshll.u32 @!p1 s3, $0xD;
	s2 =	sor.u32 @!p1 s2, s8;
	_ =	swait.eq @!p1 [sflag:s4], $0x1  }
0x21d: {  	s3 =	sor.u32 @!p1 $0x1C04, s3;
	s4 =	simm.s32 @!p1 $0x1C03;
	s2 =	sor.u32 @!p1 $0x80004000, s2  }
0x21e: {  	[spmem:s7], [sflag:s3] =	dma.general @!p1 [spmem:s5], [sflag:s4], length:$0x10, [dreg:$0x0], stride_count:$0x0, ici_dest:s2, dma_misc:DstOpCode:WRITE  }
0x21f: {  	p2 =	slt.s32 s0, $0x2;
	s5 =	simm.s32 @!p1 $0x100;
	s7 =	simm.s32 @!p1 $0x102  }
0x220: {  	[spmem:s7], [sflag:s3] =	dma.general @!p1 [spmem:s5], [sflag:s4], length:$0x2, [dreg:$0x0], stride_count:$0x0, ici_dest:s2, dma_misc:DstOpCode:WRITE  }
.Ltmp29:
0x221: {  	s2 =	simm.s32 @!p1 $0x3;
	(pc) =	sbr.rel @p2 .LBB2_42-.Ltmp29, $4  }
0x222: {  	s3 =	sshll.u32 @!p1 s9, $0xE;
	_ =	swait.ge @!p1 [sflag:s2], $0x12  }
0x223: {  	s4 =	sshll.u32 @!p1 s8, $0x11;
	s3 =	sadd.s32 @!p1 $0x11C3C, s3;
	[sflag:s2] =	ssyncset.done @!p1 $0x0  }
0x224: {  	[sflag:s2] =	ssyncadd.s32 @!p1 $0xFFFFFFEE;
	s2 =	sor.u32 @!p1 s4, s3  }
0x225: {  	s0 =	simm.s32 $0x0;
	[sflag:s2] =	ssyncadd.remote.s32 @!p1 $0xFFFFFFFF  }
0x226: {  	s0 =	simm.s32 $0xA119  }
0x227: {  	v0 =	vld.msk [tilespmem:s0+$0x0], $0x1;
	_ =	sdelay $0x4  }
0x228: {  	(v2sf) =	vpush v0, $0x0;
	_ =	sdelay $0xc  }
0x229: {  	s2 =	sadd.s32 $0xFFFFFFFE, s6  }
0x22a: {  	s2 =	sadd.s32 $0xFFFFFFFF, s2  }
0x22b: {  	p2 =	sne.s32 s2, $0x0;
	s3 =	spop (v2sf)  }
.Ltmp30:
0x22c: {  	p1 =	sgt.u32 s3, $0xC34F8;
	(pc) =	sbr.rel @!p2 .LBB2_41-.Ltmp30, $4  }
0x22d: {  	s5 =	simm.s32 $0x0;
	s4 =	sand.u32 @!p1 $0xFFFF8, s3  }
0x22e: {  	s0 =	simm.s32 $0xA178;
	s3 =	sand.u32 @!p1 $0x7, s3;
	s4 =	sadd.s32 @!p1 s1, s4  }
0x22f: {  	[hbm4b:s4+s3] =	stream.linear.scatter @!p1 [tilespmem:s0], [sflag:$0x5], $0x40, $0x38;
	[tilespmem:$0x1EF88] =	vst v63  }
0x230: {  	s5 =	simm.s32 @!p1 $0x100;
	s3 =	simm.s32 $0x0;
	s4 =	simm.s32 $0xA11A  }
.LBB2_40:
0x231: {  	v0 =	vld.msk [tilespmem:s4+$0x0], $0x1;
	s2 =	sadd.s32 $0xFFFFFFFF, s2;
	s3 =	sadd.s32 s3, s5  }
0x232: {  	p1 =	sne.s32 s2, $0x0;
	_ =	sdelay $0x3  }
0x233: {  	(v2sf) =	vpush v0, $0x0;
	_ =	sdelay $0xe  }
.Ltmp31:
0x234: {  	s6 =	spop (v2sf);
	(pc) =	sbr.rel @p1 .LBB2_40-.Ltmp31, $4  }
0x235: {  	s5 =	simm.s32 $0x0;
	p2 =	sgt.u32 s6, $0xC34F8  }
0x236: {  	s0 =	sadd.s32 $0x40, s0;
	s5 =	simm.s32 @!p2 $0x100;
	s7 =	sand.u32 @!p2 $0xFFFF8, s6  }
0x237: {  	s4 =	sadd.s32 $0x1, s4;
	s6 =	sand.u32 @!p2 $0x7, s6;
	s7 =	sadd.s32 @!p2 s1, s7  }
0x238: {  	[hbm4b:s7+s6] =	stream.linear.scatter @!p2 [tilespmem:s0], [sflag:$0x5], $0x40, $0x38;
	[tilespmem:$0x1EF88] =	vst v63  }
.LBB2_41:
0x239: {  	s0 =	sadd.s32 s3, s5  }
0x23a: {  	s0 =	sshrl.u32 s0, $0x2  }
.LBB2_42:
0x23b: {  	s2 =	simm.s32 $0x5  }
0x23c: {  	_ =	swait.ge [sflag:s2], s0  }
0x23d: {  	s31 =	ssub.s32 $0x0, s0;
	[sflag:s2] =	ssyncset.done $0x0  }
0x23e: {  	[sflag:s2] =	ssyncadd.s32 s31  }
0x23f: {  	[sflag:s2] =	ssyncpa.u1 $0x1  }
.LBB2_43:
0x240: {  	s0 =	sor.u32 s13, s14  }
0x241: {  	p1 =	sne.s32 s0, $0x0  }
.Ltmp32:
0x242: {  	_ = 	snop;
	(pc) =	sbr.rel @p1 .LBB2_58-.Ltmp32, $3  }
0x243: {  	_ =	sdelay $0x1  }
0x244: {  	[bflag:$0x0] =	sbarrier.arrive $0xFFFF  }
0x245: {  	_ =	sfence  }
0x246: {  	s2 =	simm.s32 $0x7  }
0x247: {  	s0 =	simm.s32 $0x800;
	s3 =	simm.s32 $0xA118;
	[sflag:s2] =	ssyncpa.u1 $0x0  }
0x248: {  	[tilespmem:s3], [sflag:$0x7] =	stream.linear.gather [spmem:s0], $0x20, $0x38;
	[tilespmem:$0x1EF88] =	vst v63  }
0x249: {  	s30 =	simm.s32 $0xA138;
	s0 =	simm.s32 $0x0  }
0x24a: {  	[tilespmem:s30], [sflag:$0x7] =	stream.linear.gather [spmem:s0], $0x800, $0x38;
	[tilespmem:$0x1EF88] =	vst v63  }
.Ltmp33:
0x24b: {  	_ = 	snop;
	(pc) =	sbr.rel .LBB2_45-.Ltmp33, $4  }
0x24c: {  	_ =	swait.ge [sflag:s2], $0x820  }
0x24d: {  	[sflag:s2] =	ssyncset.done $0x0  }
0x24e: {  	s31 =	simm.s32 $0x8;
	[sflag:s2] =	ssyncadd.s32 $0xFFFFF7E0  }
0x24f: {  	s2 =	simm.s32 $0x0;
	[sflag:s31] =	ssyncpa.u1 $0x0  }
.LBB2_51:
0x250: {  	p1 =	slt.u32 s3, $0xC34F9  }
0x251: {  	s4 =	sand.u32 @p1 $0xFFFF8, s3  }
0x252: {  	s3 =	sand.u32 @p1 $0x7, s3;
	s5 =	simm.s32 @p1 $0xA0C8;
	s4 =	sadd.s32 @p1 s1, s4  }
0x253: {  	[tilespmem:s5], [sflag:$0x8] =	stream.linear.gather @p1 [hbm4b:s4+s3], $0x40, $0x38;
	[tilespmem:$0x1EF88] =	vst v63  }
0x254: {  	s3 =	simm.s32 @p1 $0x8  }
0x255: {  	_ =	swait.ge @p1 [sflag:s3], $0x40  }
0x256: {  	[sflag:s3] =	ssyncset.done @p1 $0x0  }
0x257: {  	[sflag:s3] =	ssyncadd.s32 @p1 $0xFFFFFFC0;
	s3 =	sshll.u32 @p1 s2, $0x8  }
0x258: {  	s4 =	sshrl.u32 @p1 s3, $0x2;
	v1 =	vld @p1 [tilespmem:$0xA0C8]  }
0x259: {  	v2 =	vld @p1 [tilespmem:s4+$0xA138];
	_ =	sdelay $0x4  }
0x25a: {  	v1 =	vmin.f32 @p1 v1, v2  }
0x25b: {  	v2 =	vld @p1 [tilespmem:s4+$0xA148];
	[tilespmem:s4+$0xA138] =	vst @p1 v1  }
0x25c: {  	v1 =	vld @p1 [tilespmem:$0xA0D8];
	_ =	sdelay $0x4  }
0x25d: {  	v1 =	vmin.f32 @p1 v1, v2  }
0x25e: {  	v2 =	vld @p1 [tilespmem:s4+$0xA158];
	[tilespmem:s4+$0xA148] =	vst @p1 v1  }
0x25f: {  	v1 =	vld @p1 [tilespmem:$0xA0E8];
	_ =	sdelay $0x4  }
0x260: {  	v1 =	vmin.f32 @p1 v1, v2  }
0x261: {  	v2 =	vld @p1 [tilespmem:s4+$0xA168];
	[tilespmem:s4+$0xA158] =	vst @p1 v1  }
0x262: {  	v1 =	vld @p1 [tilespmem:$0xA0F8];
	_ =	sdelay $0x4  }
0x263: {  	s5 =	sshll.u32 @!p1 s2, $0x8;
	v1 =	vmin.f32 @p1 v1, v2  }
0x264: {  	s5 =	smov.u32 @p1 s3;
	[tilespmem:s4+$0xA168] =	vst @p1 v1  }
0x265: {  	s3 =	sshrl.u32 s5, $0x2;
	[tilespmem:s0+$0xA118] =	vst.msk $0x1, v0  }
0x266: {  	v0 =	vld [tilespmem:s3+$0xA138];
	_ =	sdelay $0x2  }
0x267: {  	s31 =	sshll.u32 s0, $0x8  }
0x268: {  	s4 =	sshra.s32 s31, $0x2  }
0x269: {  	[tilespmem:s4+$0xA138] =	vst v0  }
0x26a: {  	v0 =	vld [tilespmem:s3+$0xA148];
	_ =	sdelay $0x4  }
0x26b: {  	[tilespmem:s4+$0xA148] =	vst v0  }
0x26c: {  	v0 =	vld [tilespmem:s3+$0xA158];
	_ =	sdelay $0x4  }
0x26d: {  	[tilespmem:s4+$0xA158] =	vst v0  }
0x26e: {  	v0 =	vld [tilespmem:s3+$0xA168];
	_ =	sdelay $0x4  }
0x26f: {  	s0 =	sadd.s32 $0x1, s0;
	[tilespmem:s4+$0xA168] =	vst v0  }
.LBB2_52:
0x270: {  	s2 =	sadd.s32 $0x1, s2  }
0x271: {  	p1 =	sne.s32 s2, $0x20  }
.Ltmp34:
0x272: {  	_ = 	snop;
	(pc) =	sbr.rel @!p1 .LBB2_53-.Ltmp34, $1  }
0x273: {  	_ =	sdelay $0x3  }
.LBB2_45:
0x274: {  	v0 =	vld.msk [tilespmem:s2+$0xA118], $0x1;
	_ =	sdelay $0x4  }
0x275: {  	(v2sf) =	vpush v0, $0x0;
	_ =	sdelay $0xe  }
0x276: {  	s3 =	spop (v2sf)  }
0x277: {  	p1 =	seq.s32 s3, $0xFFFFFFFF  }
.Ltmp35:
0x278: {  	_ = 	snop;
	(pc) =	sbr.rel @p1 .LBB2_52-.Ltmp35, $1  }
0x279: {  	_ =	sdelay $0x3  }
0x27a: {  	p1 =	slt.s32 s0, $0x1  }
.Ltmp36:
0x27b: {  	_ = 	snop;
	(pc) =	sbr.rel @p1 .LBB2_51-.Ltmp36, $1  }
0x27c: {  	_ =	sdelay $0x3  }
0x27d: {  	s4 =	simm.s32 $0xA118;
	p1 =	por $0x0, $0x0  }
0x27e: {  	v1 =	vld.msk @!p1 [tilespmem:s4+$0x0], $0x1;
	_ =	sdelay $0x4  }
0x27f: {  	(v2sf) =	vpush @!p1 v1, $0x0;
	_ =	sdelay $0xd  }
0x280: {  	p3 =	sne.s32 s0, $0x1  }
.Ltmp37:
0x281: {  	s5 =	spop @!p1 (v2sf);
	(pc) =	sbr.rel @!p3 .LBB2_49-.Ltmp37, $4  }
0x282: {  	p2 =	seq.s32 @!p1 s3, s5  }
0x283: {  	s5 =	simm.s32 $0x0;
	p2 =	por !p2, p1  }
0x284: {  	s7 =	simm.s32 $0xFFFFFFFF;
	s5 =	simm.s32 @p2 $0xFFFFFFFF  }
0x285: {  	s6 =	simm.s32 $0x1;
	s5 =	smov.u32 @p1 s7  }
.LBB2_48:
0x286: {  	s7 =	smov.u32 s5;
	p1 =	sne.s32 s5, $0xFFFFFFFF  }
0x287: {  	s4 =	sadd.s32 $0x1, s4;
	s5 =	smov.u32 s6;
	s6 =	sadd.s32 $0x1, s6  }
0x288: {  	p2 =	sne.s32 s0, s6;
	v1 =	vld.msk @!p1 [tilespmem:s4+$0x0], $0x1;
	_ =	sdelay $0x4  }
0x289: {  	(v2sf) =	vpush @!p1 v1, $0x0;
	_ =	sdelay $0xe  }
.Ltmp38:
0x28a: {  	s8 =	spop @!p1 (v2sf);
	(pc) =	sbr.rel @p2 .LBB2_48-.Ltmp38, $4  }
0x28b: {  	p3 =	seq.s32 @!p1 s3, s8  }
0x28c: {  	p3 =	por !p3, p1  }
0x28d: {  	s5 =	simm.s32 @p3 $0xFFFFFFFF  }
0x28e: {  	s5 =	smov.u32 @p1 s7  }
.LBB2_49:
0x28f: {  	p1 =	seq.s32 s5, $0xFFFFFFFF  }
.Ltmp39:
0x290: {  	_ = 	snop;
	(pc) =	sbr.rel @p1 .LBB2_51-.Ltmp39, $1  }
0x291: {  	_ =	sdelay $0x3  }
0x292: {  	s3 =	sshll.u32 s2, $0x6  }
0x293: {  	s4 =	sshll.u32 s5, $0x8;
	s3 =	sand.u32 $0x3FFFFFC0, s3  }
0x294: {  	s4 =	sshra.s32 s4, $0x2;
	v0 =	vld [tilespmem:s3+$0xA138]  }
0x295: {  	v1 =	vld [tilespmem:s4+$0xA138];
	_ =	sdelay $0x4  }
0x296: {  	v0 =	vmin.f32 v0, v1  }
0x297: {  	v61 =	vld [tilespmem:s4+$0xA148];
	[tilespmem:s4+$0xA138] =	vst v0  }
0x298: {  	v0 =	vld [tilespmem:s3+$0xA148];
	_ =	sdelay $0x4  }
0x299: {  	v0 =	vmin.f32 v0, v61  }
0x29a: {  	v62 =	vld [tilespmem:s4+$0xA158];
	[tilespmem:s4+$0xA148] =	vst v0  }
0x29b: {  	v0 =	vld [tilespmem:s3+$0xA158];
	_ =	sdelay $0x4  }
0x29c: {  	v0 =	vmin.f32 v0, v62  }
0x29d: {  	v63 =	vld [tilespmem:s4+$0xA168];
	[tilespmem:s4+$0xA158] =	vst v0  }
0x29e: {  	v0 =	vld [tilespmem:s3+$0xA168];
	_ =	sdelay $0x1  }
.Ltmp40:
0x29f: {  	_ = 	snop;
	(pc) =	sbr.rel .LBB2_52-.Ltmp40, $3  }
0x2a0: {  	_ =	sdelay $0x1  }
0x2a1: {  	v0 =	vmin.f32 v0, v63  }
0x2a2: {  	[tilespmem:s4+$0xA168] =	vst v0  }
.LBB2_53:
0x2a3: {  	p1 =	slt.s32 s0, $0x1  }
.Ltmp41:
0x2a4: {  	_ = 	snop;
	(pc) =	sbr.rel @p1 .LBB2_57-.Ltmp41, $3  }
0x2a5: {  	_ =	sdelay $0x1  }
0x2a6: {  	s2 =	simm.s32 $0x8  }
0x2a7: {  	[sflag:s2] =	ssyncpa.u1 $0x1;
	s2 =	simm.s32 $0x0  }
0x2a8: {  	s3 =	simm.s32 $0xA118  }
0x2a9: {  	v0 =	vld.msk [tilespmem:s3+$0x0], $0x1;
	_ =	sdelay $0x4  }
0x2aa: {  	(v2sf) =	vpush v0, $0x0;
	_ =	sdelay $0xe  }
0x2ab: {  	s0 =	sadd.s32 $0xFFFFFFFF, s0;
	s4 =	spop (v2sf)  }
0x2ac: {  	p2 =	sne.s32 s0, $0x0;
	p1 =	sgt.u32 s4, $0xC34F8  }
.Ltmp42:
0x2ad: {  	s5 =	sand.u32 @!p1 $0xFFFF8, s4;
	(pc) =	sbr.rel @!p2 .LBB2_56-.Ltmp42, $4  }
0x2ae: {  	s3 =	simm.s32 $0xA138;
	s4 =	sand.u32 @!p1 $0x7, s4;
	s5 =	sadd.s32 @!p1 s1, s5  }
0x2af: {  	[hbm4b:s5+s4] =	stream.linear.scatter @!p1 [tilespmem:s3], [sflag:$0x7], $0x40, $0x38;
	[tilespmem:$0x1EF88] =	vst v63  }
0x2b0: {  	s5 =	simm.s32 $0x0  }
0x2b1: {  	s4 =	simm.s32 $0xA119;
	s5 =	simm.s32 @!p1 $0x100  }
.LBB2_55:
0x2b2: {  	v0 =	vld.msk [tilespmem:s4+$0x0], $0x1;
	s0 =	sadd.s32 $0xFFFFFFFF, s0;
	s2 =	sadd.s32 s2, s5  }
0x2b3: {  	p1 =	sne.s32 s0, $0x0;
	_ =	sdelay $0x3  }
0x2b4: {  	(v2sf) =	vpush v0, $0x0;
	_ =	sdelay $0xe  }
.Ltmp43:
0x2b5: {  	s6 =	spop (v2sf);
	(pc) =	sbr.rel @p1 .LBB2_55-.Ltmp43, $4  }
0x2b6: {  	s5 =	simm.s32 $0x0;
	p2 =	sgt.u32 s6, $0xC34F8  }
0x2b7: {  	s3 =	sadd.s32 $0x40, s3;
	s5 =	simm.s32 @!p2 $0x100;
	s7 =	sand.u32 @!p2 $0xFFFF8, s6  }
0x2b8: {  	s4 =	sadd.s32 $0x1, s4;
	s6 =	sand.u32 @!p2 $0x7, s6;
	s7 =	sadd.s32 @!p2 s1, s7  }
0x2b9: {  	[hbm4b:s7+s6] =	stream.linear.scatter @!p2 [tilespmem:s3], [sflag:$0x7], $0x40, $0x38;
	[tilespmem:$0x1EF88] =	vst v63  }
.LBB2_56:
0x2ba: {  	s0 =	sadd.s32 s2, s5  }
0x2bb: {  	s2 =	sshrl.u32 s0, $0x2  }
.LBB2_57:
0x2bc: {  	s0 =	simm.s32 $0x7  }
0x2bd: {  	_ =	swait.ge [sflag:s0], s2  }
0x2be: {  	s1 =	ssub.s32 $0x0, s2;
	[sflag:s0] =	ssyncset.done $0x0  }
0x2bf: {  	[sflag:s0] =	ssyncadd.s32 s1  }
0x2c0: {  	[sflag:s0] =	ssyncpa.u1 $0x1  }
.LBB2_58:
0x2c1: {  	_ =	sfence;
	s0 =	simm.s32 $0x1  }
0x2c2: {  	[sflag:s0] =	ssyncpa.u1 $0x1  }
0x2c3: {  	_ =	strace $0x9000004D  }
0x2c4: {  	[bflag:$0x2] =	sbarrier.arrive $0xFFFF  }
0x2c5: {  	s0 =	rddreg [dreg:$0x4]  }
0x2c6: {  	s0 =	sadd.s32 @!p0 $0x100000, s0  }
0x2c7: {  	[sflag:s0] =	ssyncadd.tile.s32 @!p0 $0x1;
	_ =	shalt  }
.Lfunc_end2:
_tile_overlayer_lowered:
.L_overlay_start_2:
0x2c8: {  	(tag) =	ssettag $0x2  }
0x2c9: {  	s0 =	rddreg [dreg:$0x0];
	s2 =	stileid.u32  }
0x2ca: {  	s1 =	rddreg [dreg:$0x1];
	p0 =	sne.s32 s2, $0x0  }
0x2cb: {  	s3 =	rddreg [dreg:$0x2];
	[bflag:$0x3] =	sbarrier.arrive $0xFFFF;
	s2 =	simm.s32 @!p0 $0x1C01  }
0x2cc: {  	[timem:s3], [sflag:s2] =	dma.local @!p0 [hbm:s0], s1  }
0x2cd: {  	s0 =	simm.s32 @!p0 $0x1  }
0x2ce: {  	_ =	swait.ge @!p0 [sflag:s0], s1  }
0x2cf: {  	s1 =	ssub.s32 @!p0 $0x0, s1;
	[sflag:s0] =	ssyncset.done @!p0 $0x0  }
0x2d0: {  	[sflag:s0] =	ssyncadd.s32 @!p0 s1  }
0x2d1: {  	[bflag:$0x3] =	sbarrier.arrive $0xFFFF  }
0x2d2: {  	_ =	shalt  }

</sc_bundles>
